<compile_context>
chip_gen: v7x
topology: tpu7x:2x2x1
jax: 0.10.2.dev20260603
libtpu: 0.0.44.dev20260713+nightly
codegen_flags: <defaults>
</compile_context>

<pallas_src>
import functools

import jax
import jax.numpy as jnp
from jax import lax
from jax.experimental import pallas as pl
from jax.experimental.pallas import tpu as pltpu
from jax.experimental.pallas import tpu_sc as plsc

M = 16
L = 16
NC, NS = 2, 16
NW = NC * NS
ROWS, COLS = 16384, 200
RT, CT = COLS, ROWS
SLAB_R = 8
SLAB_C = CT // NW
N_SLAB = RT // SLAB_R
NBUF = 4

_T_LO = 1e-6
_T_HI = 1.0 - 1e-6
_INV_DX = 1.0 / (1.0 / M + 1e-12)


def _build_tables(beta):
    babs = jnp.abs(beta)
    z = jnp.exp(-babs)
    y = z * (1.0 - z * (0.5 - z / 3.0))
    one_z = 1.0 + z
    for _ in range(4):
        y = y - 1.0 + one_z * jnp.exp(-y)
    sp = jnp.maximum(beta, 0.0) + y
    alpha = sp + 1e-8
    h = alpha / jnp.sum(alpha)
    y0 = plsc.cumsum(h) - h
    s = h * _INV_DX
    x0 = lax.iota(jnp.int32, M).astype(jnp.float32) * (1.0 / M)
    a = y0 - x0 * s
    return jnp.maximum(s, 1e-8), a


@functools.lru_cache(maxsize=1)
def _get_warp():
    mesh = plsc.VectorSubcoreMesh(
        core_axis_name="c", subcore_axis_name="s",
        num_cores=NC, num_subcores=NS)

    @functools.partial(
        pl.kernel,
        out_type=[jax.ShapeDtypeStruct((RT, CT), jnp.float32),
                  jax.ShapeDtypeStruct((RT, CT), jnp.float32)],
        mesh=mesh,
        compiler_params=pltpu.CompilerParams(needs_layout_passes=False),
        scratch_types=[
            pltpu.VMEM((M,), jnp.float32),
            pltpu.VMEM((M,), jnp.float32),
            pltpu.VMEM((NBUF, SLAB_R, SLAB_C), jnp.float32),
            pltpu.VMEM((NBUF, SLAB_R, SLAB_C), jnp.float32),
            pltpu.VMEM((NBUF, SLAB_R, SLAB_C), jnp.float32),
            pltpu.SemaphoreType.DMA((NBUF,)),
            pltpu.SemaphoreType.DMA((NBUF,)),
            pltpu.SemaphoreType.DMA((NBUF,)),
        ],
    )
    def _warp(u_hbm, beta_hbm, t_hbm, g_hbm,
              s_v, a_v, u_v, t_v, g_v, sem_u, sem_t, sem_g):
        cid = lax.axis_index("c")
        sid = lax.axis_index("s")
        wid = sid * NC + cid
        c0 = wid * SLAB_C

        def in_desc(k, b):
            return pltpu.make_async_copy(
                u_hbm.at[pl.ds(k * SLAB_R, SLAB_R), pl.ds(c0, SLAB_C)],
                u_v.at[b], sem_u.at[b])

        def out_t(k, b):
            return pltpu.make_async_copy(
                t_v.at[b], t_hbm.at[pl.ds(k * SLAB_R, SLAB_R), pl.ds(c0, SLAB_C)],
                sem_t.at[b])

        def out_g(k, b):
            return pltpu.make_async_copy(
                g_v.at[b], g_hbm.at[pl.ds(k * SLAB_R, SLAB_R), pl.ds(c0, SLAB_C)],
                sem_g.at[b])

        def _maybe(cond, fn):
            if isinstance(cond, bool):
                if cond:
                    fn()
            else:
                pl.when(cond)(fn)

        def step(kc, b):
            in_desc(kc, b).wait()

            def _wait_prev():
                out_t(kc - NBUF, b).wait()
                out_g(kc - NBUF, b).wait()

            _maybe(kc >= NBUF, _wait_prev)

            @plsc.parallel_loop(0, SLAB_C, L, unroll=4)
            def _vec(off):
                for r in range(SLAB_R):
                    uv = u_v[b, r, pl.ds(off, L)]
                    idx = (uv * float(M)).astype(jnp.int32)
                    sv = plsc.load_gather(s_v, [idx])
                    av = plsc.load_gather(a_v, [idx])
                    t = jnp.minimum(jnp.maximum(av + uv * sv, _T_LO), _T_HI)
                    t_v[b, r, pl.ds(off, L)] = t
                    g_v[b, r, pl.ds(off, L)] = sv

            out_t(kc, b).start()
            out_g(kc, b).start()
            _maybe(kc + NBUF < N_SLAB, lambda: in_desc(kc + NBUF, b).start())

        for b in range(NBUF):
            in_desc(b, b).start()

        pltpu.sync_copy(beta_hbm, s_v)
        s, a = _build_tables(s_v[...])
        s_v[...] = s
        a_v[...] = a

        @pl.loop(0, N_SLAB)
        def _outer(kc):
            step(kc, lax.rem(kc, NBUF))
        for kc in range(N_SLAB - NBUF, N_SLAB):
            out_t(kc, kc % NBUF).wait()
            out_g(kc, kc % NBUF).wait()

    return _warp


def kernel(u, beta):
    t, g = _get_warp()(u.T, beta)
    return (t.T, g.T)

# --- scband reference (transcript-rebuilt; emitter-appended) ---
"""Pipeline reference for scband-time-warp-pl-44289702756369 (READ-ONLY COPY).

The authoritative reference and input builder live on the scoring server;
editing this copy changes nothing except your own understanding.
"""

import jax, jax.numpy as jnp
import numpy as np


def setup_inputs(seed: int = 0) -> dict:
    key = jax.random.key(seed)
    k1, _ = jax.random.split(key)
    u = jax.random.uniform(k1, (16384, 200), dtype=jnp.float32)
    beta = jnp.zeros((16,), dtype=jnp.float32)  # learned parameter, init_identity -> zeros
    return {"u": u, "beta": beta}


def reference(u, beta):
    M = beta.shape[0]
    x = jnp.linspace(0.0, 1.0, M + 1).astype(jnp.float32)
    alpha = jax.nn.softplus(beta) + 1e-08
    heights = alpha / alpha.sum()
    y = jnp.concatenate([jnp.zeros((1,), dtype=heights.dtype), jnp.cumsum(heights)], axis=0)
    idx = jnp.clip((u * M).astype(jnp.int32), 0, M - 1)
    x0 = jnp.take(x, idx)
    x1 = jnp.take(x, idx + 1)
    y0 = jnp.take(y, idx)
    y1 = jnp.take(y, idx + 1)
    w = (u - x0) / (x1 - x0 + 1e-12)
    t = y0 + w * (y1 - y0)
    gprime = (y1 - y0) / (x1 - x0 + 1e-12)
    t = jnp.clip(t, 1e-06, 1.0 - 1e-06)
    gprime = jnp.maximum(gprime, 1e-08)
    return (t, gprime)

if __name__ == "__main__":
    import jax
    _d = setup_inputs()
    print(jax.jit(kernel)(*tuple(_d.values())))

</pallas_src>

<mosaic_0001>
#map = affine_map<(d0, d1) -> (0, 0)>
#map1 = affine_map<(d0, d1) -> (0)>
module attributes {stable_mosaic.version = 14 : i64} {
  func.func @_warp(%arg0: i32, %arg1: i32, %arg2: memref<200x16384xf32, #tpu.memory_space<hbm>>, %arg3: memref<16xf32, #tpu.memory_space<hbm>>, %arg4: memref<200x16384xf32, #tpu.memory_space<hbm>>, %arg5: memref<200x16384xf32, #tpu.memory_space<hbm>>, %arg6: memref<16xf32, #tpu.memory_space<vmem>>, %arg7: memref<16xf32, #tpu.memory_space<vmem>>, %arg8: memref<4x8x512xf32, #tpu.memory_space<vmem>>, %arg9: memref<4x8x512xf32, #tpu.memory_space<vmem>>, %arg10: memref<4x8x512xf32, #tpu.memory_space<vmem>>, %arg11: memref<4x!tpu.dma_semaphore, #tpu.memory_space<semaphore_mem>>, %arg12: memref<4x!tpu.dma_semaphore, #tpu.memory_space<semaphore_mem>>, %arg13: memref<4x!tpu.dma_semaphore, #tpu.memory_space<semaphore_mem>>) attributes {dimension_semantics = [#tpu.dimension_semantics<core_parallel>, #tpu.dimension_semantics<subcore_parallel>], iteration_bounds = array<i64: 2, 16>, scalar_prefetch = 0 : i64, scratch_operands = 8 : i64, tpu.core_type = #tpu.core_type<sc_vector_subcore>, window_params = [{transform_indices = #map}, {transform_indices = #map1}, {transform_indices = #map}, {transform_indices = #map}]} {
    %mul3A = arith.constant 2 : i32
    %mul3A_0 = arith.muli %arg1, %mul3A : i32
    %add3A = arith.addi %mul3A_0, %arg0 : i32
    %mul3A_1 = arith.constant 512 : i32
    %mul3A_2 = arith.muli %add3A, %mul3A_1 : i32
    %dma_start3A = arith.constant 0 : i32
    %dma_start3A_3 = arith.constant 0 : i32
    %dma_start3A_4 = arith.constant 0 : i32
    %dma_start3A_5 = arith.constant 0 : i32
    %dma_start3A_6 = tpu.memref_slice %arg8[%dma_start3A, %dma_start3A_4, %dma_start3A_5] : memref<4x8x512xf32, #tpu.memory_space<vmem>> -> memref<1x8x512xf32, #tpu.memory_space<vmem>>
    %dma_start3A_7 = tpu.memref_squeeze %dma_start3A_6 : memref<1x8x512xf32, #tpu.memory_space<vmem>> -> memref<8x512xf32, #tpu.memory_space<vmem>>
    %dma_start3A_8 = arith.constant 0 : i32
    %dma_start3A_9 = tpu.memref_slice %arg2[%dma_start3A_8, %mul3A_2] : memref<200x16384xf32, #tpu.memory_space<hbm>> -> memref<8x512xf32, #tpu.memory_space<hbm>>
    %dma_start3A_10 = tpu.memref_slice %arg11[%dma_start3A_3] : memref<4x!tpu.dma_semaphore, #tpu.memory_space<semaphore_mem>> -> memref<1x!tpu.dma_semaphore, #tpu.memory_space<semaphore_mem>>
    %dma_start3A_11 = tpu.memref_squeeze %dma_start3A_10 : memref<1x!tpu.dma_semaphore, #tpu.memory_space<semaphore_mem>> -> memref<!tpu.dma_semaphore, #tpu.memory_space<semaphore_mem>>
    %dma_start3A_12 = arith.constant 0 : i32
    %dma_start3A_13 = arith.constant 0 : i32
    %dma_start3A_14 = tpu.memref_slice %arg8[%dma_start3A, %dma_start3A_12, %dma_start3A_13] : memref<4x8x512xf32, #tpu.memory_space<vmem>> -> memref<1x8x512xf32, #tpu.memory_space<vmem>>
    %dma_start3A_15 = tpu.memref_squeeze %dma_start3A_14 : memref<1x8x512xf32, #tpu.memory_space<vmem>> -> memref<8x512xf32, #tpu.memory_space<vmem>>
    %dma_start3A_16 = arith.constant 0 : i32
    %dma_start3A_17 = tpu.memref_slice %arg2[%dma_start3A_16, %mul3A_2] : memref<200x16384xf32, #tpu.memory_space<hbm>> -> memref<8x512xf32, #tpu.memory_space<hbm>>
    tpu.enqueue_dma source(%dma_start3A_17 : memref<8x512xf32, #tpu.memory_space<hbm>>) target(%dma_start3A_15 : memref<8x512xf32, #tpu.memory_space<vmem>>) target_semaphore(%dma_start3A_11 : memref<!tpu.dma_semaphore, #tpu.memory_space<semaphore_mem>>)
    %dma_start3A_18 = arith.constant 1 : i32
    %dma_start3A_19 = arith.constant 1 : i32
    %dma_start3A_20 = arith.constant 0 : i32
    %dma_start3A_21 = arith.constant 0 : i32
    %dma_start3A_22 = tpu.memref_slice %arg8[%dma_start3A_18, %dma_start3A_20, %dma_start3A_21] : memref<4x8x512xf32, #tpu.memory_space<vmem>> -> memref<1x8x512xf32, #tpu.memory_space<vmem>>
    %dma_start3A_23 = tpu.memref_squeeze %dma_start3A_22 : memref<1x8x512xf32, #tpu.memory_space<vmem>> -> memref<8x512xf32, #tpu.memory_space<vmem>>
    %dma_start3A_24 = arith.constant 8 : i32
    %dma_start3A_25 = tpu.memref_slice %arg2[%dma_start3A_24, %mul3A_2] : memref<200x16384xf32, #tpu.memory_space<hbm>> -> memref<8x512xf32, #tpu.memory_space<hbm>>
    %dma_start3A_26 = tpu.memref_slice %arg11[%dma_start3A_19] : memref<4x!tpu.dma_semaphore, #tpu.memory_space<semaphore_mem>> -> memref<1x!tpu.dma_semaphore, #tpu.memory_space<semaphore_mem>>
    %dma_start3A_27 = tpu.memref_squeeze %dma_start3A_26 : memref<1x!tpu.dma_semaphore, #tpu.memory_space<semaphore_mem>> -> memref<!tpu.dma_semaphore, #tpu.memory_space<semaphore_mem>>
    %dma_start3A_28 = arith.constant 0 : i32
    %dma_start3A_29 = arith.constant 0 : i32
    %dma_start3A_30 = tpu.memref_slice %arg8[%dma_start3A_18, %dma_start3A_28, %dma_start3A_29] : memref<4x8x512xf32, #tpu.memory_space<vmem>> -> memref<1x8x512xf32, #tpu.memory_space<vmem>>
    %dma_start3A_31 = tpu.memref_squeeze %dma_start3A_30 : memref<1x8x512xf32, #tpu.memory_space<vmem>> -> memref<8x512xf32, #tpu.memory_space<vmem>>
    %dma_start3A_32 = arith.constant 8 : i32
    %dma_start3A_33 = tpu.memref_slice %arg2[%dma_start3A_32, %mul3A_2] : memref<200x16384xf32, #tpu.memory_space<hbm>> -> memref<8x512xf32, #tpu.memory_space<hbm>>
    tpu.enqueue_dma source(%dma_start3A_33 : memref<8x512xf32, #tpu.memory_space<hbm>>) target(%dma_start3A_31 : memref<8x512xf32, #tpu.memory_space<vmem>>) target_semaphore(%dma_start3A_27 : memref<!tpu.dma_semaphore, #tpu.memory_space<semaphore_mem>>)
    %dma_start3A_34 = arith.constant 2 : i32
    %dma_start3A_35 = arith.constant 2 : i32
    %dma_start3A_36 = arith.constant 0 : i32
    %dma_start3A_37 = arith.constant 0 : i32
    %dma_start3A_38 = tpu.memref_slice %arg8[%dma_start3A_34, %dma_start3A_36, %dma_start3A_37] : memref<4x8x512xf32, #tpu.memory_space<vmem>> -> memref<1x8x512xf32, #tpu.memory_space<vmem>>
    %dma_start3A_39 = tpu.memref_squeeze %dma_start3A_38 : memref<1x8x512xf32, #tpu.memory_space<vmem>> -> memref<8x512xf32, #tpu.memory_space<vmem>>
    %dma_start3A_40 = arith.constant 16 : i32
    %dma_start3A_41 = tpu.memref_slice %arg2[%dma_start3A_40, %mul3A_2] : memref<200x16384xf32, #tpu.memory_space<hbm>> -> memref<8x512xf32, #tpu.memory_space<hbm>>
    %dma_start3A_42 = tpu.memref_slice %arg11[%dma_start3A_35] : memref<4x!tpu.dma_semaphore, #tpu.memory_space<semaphore_mem>> -> memref<1x!tpu.dma_semaphore, #tpu.memory_space<semaphore_mem>>
    %dma_start3A_43 = tpu.memref_squeeze %dma_start3A_42 : memref<1x!tpu.dma_semaphore, #tpu.memory_space<semaphore_mem>> -> memref<!tpu.dma_semaphore, #tpu.memory_space<semaphore_mem>>
    %dma_start3A_44 = arith.constant 0 : i32
    %dma_start3A_45 = arith.constant 0 : i32
    %dma_start3A_46 = tpu.memref_slice %arg8[%dma_start3A_34, %dma_start3A_44, %dma_start3A_45] : memref<4x8x512xf32, #tpu.memory_space<vmem>> -> memref<1x8x512xf32, #tpu.memory_space<vmem>>
    %dma_start3A_47 = tpu.memref_squeeze %dma_start3A_46 : memref<1x8x512xf32, #tpu.memory_space<vmem>> -> memref<8x512xf32, #tpu.memory_space<vmem>>
    %dma_start3A_48 = arith.constant 16 : i32
    %dma_start3A_49 = tpu.memref_slice %arg2[%dma_start3A_48, %mul3A_2] : memref<200x16384xf32, #tpu.memory_space<hbm>> -> memref<8x512xf32, #tpu.memory_space<hbm>>
    tpu.enqueue_dma source(%dma_start3A_49 : memref<8x512xf32, #tpu.memory_space<hbm>>) target(%dma_start3A_47 : memref<8x512xf32, #tpu.memory_space<vmem>>) target_semaphore(%dma_start3A_43 : memref<!tpu.dma_semaphore, #tpu.memory_space<semaphore_mem>>)
    %dma_start3A_50 = arith.constant 3 : i32
    %dma_start3A_51 = arith.constant 3 : i32
    %dma_start3A_52 = arith.constant 0 : i32
    %dma_start3A_53 = arith.constant 0 : i32
    %dma_start3A_54 = tpu.memref_slice %arg8[%dma_start3A_50, %dma_start3A_52, %dma_start3A_53] : memref<4x8x512xf32, #tpu.memory_space<vmem>> -> memref<1x8x512xf32, #tpu.memory_space<vmem>>
    %dma_start3A_55 = tpu.memref_squeeze %dma_start3A_54 : memref<1x8x512xf32, #tpu.memory_space<vmem>> -> memref<8x512xf32, #tpu.memory_space<vmem>>
    %dma_start3A_56 = arith.constant 24 : i32
    %dma_start3A_57 = tpu.memref_slice %arg2[%dma_start3A_56, %mul3A_2] : memref<200x16384xf32, #tpu.memory_space<hbm>> -> memref<8x512xf32, #tpu.memory_space<hbm>>
    %dma_start3A_58 = tpu.memref_slice %arg11[%dma_start3A_51] : memref<4x!tpu.dma_semaphore, #tpu.memory_space<semaphore_mem>> -> memref<1x!tpu.dma_semaphore, #tpu.memory_space<semaphore_mem>>
    %dma_start3A_59 = tpu.memref_squeeze %dma_start3A_58 : memref<1x!tpu.dma_semaphore, #tpu.memory_space<semaphore_mem>> -> memref<!tpu.dma_semaphore, #tpu.memory_space<semaphore_mem>>
    %dma_start3A_60 = arith.constant 0 : i32
    %dma_start3A_61 = arith.constant 0 : i32
    %dma_start3A_62 = tpu.memref_slice %arg8[%dma_start3A_50, %dma_start3A_60, %dma_start3A_61] : memref<4x8x512xf32, #tpu.memory_space<vmem>> -> memref<1x8x512xf32, #tpu.memory_space<vmem>>
    %dma_start3A_63 = tpu.memref_squeeze %dma_start3A_62 : memref<1x8x512xf32, #tpu.memory_space<vmem>> -> memref<8x512xf32, #tpu.memory_space<vmem>>
    %dma_start3A_64 = arith.constant 24 : i32
    %dma_start3A_65 = tpu.memref_slice %arg2[%dma_start3A_64, %mul3A_2] : memref<200x16384xf32, #tpu.memory_space<hbm>> -> memref<8x512xf32, #tpu.memory_space<hbm>>
    tpu.enqueue_dma source(%dma_start3A_65 : memref<8x512xf32, #tpu.memory_space<hbm>>) target(%dma_start3A_63 : memref<8x512xf32, #tpu.memory_space<vmem>>) target_semaphore(%dma_start3A_59 : memref<!tpu.dma_semaphore, #tpu.memory_space<semaphore_mem>>)
    "tpu.region"() ({
      %run_scoped3A = tpu.sem_alloc : memref<!tpu.dma_semaphore, #tpu.memory_space<semaphore_mem>>
      tpu.enqueue_dma source(%arg3 : memref<16xf32, #tpu.memory_space<hbm>>) target(%arg6 : memref<16xf32, #tpu.memory_space<vmem>>) target_semaphore(%run_scoped3A : memref<!tpu.dma_semaphore, #tpu.memory_space<semaphore_mem>>)
      tpu.wait_dma2 semaphore(%run_scoped3A : memref<!tpu.dma_semaphore, #tpu.memory_space<semaphore_mem>>) src(%arg3 : memref<16xf32, #tpu.memory_space<hbm>>) dst(%arg6 : memref<16xf32, #tpu.memory_space<vmem>>)
      tpu.yield
    }) : () -> ()
    %get3A = arith.constant 0 : index
    %get3A_66 = tpu.vector_load %arg6[%get3A] {strides = array<i32>} : memref<16xf32, #tpu.memory_space<vmem>>, vector<16xf32>,
    %abs3A = math.absf %get3A_66 : vector<16xf32>
    %neg3A = arith.constant 0.000000e+00 : f32
    %neg3A_67 = vector.broadcast %neg3A : f32 to vector<16xf32>
    %neg3A_68 = arith.subf %neg3A_67, %abs3A : vector<16xf32>
    %exp3A = math.exp %neg3A_68 : vector<16xf32>
    %div3A = arith.constant 3.000000e+00 : f32
    %div3A_69 = vector.broadcast %div3A : f32 to vector<16xf32>
    %div3A_70 = arith.divf %exp3A, %div3A_69 : vector<16xf32>
    %sub3A = arith.constant 5.000000e-01 : f32
    %sub3A_71 = vector.broadcast %sub3A : f32 to vector<16xf32>
    %sub3A_72 = arith.subf %sub3A_71, %div3A_70 : vector<16xf32>
    %mul3A_73 = arith.mulf %exp3A, %sub3A_72 : vector<16xf32>
    %sub3A_74 = arith.constant 1.000000e+00 : f32
    %sub3A_75 = vector.broadcast %sub3A_74 : f32 to vector<16xf32>
    %sub3A_76 = arith.subf %sub3A_75, %mul3A_73 : vector<16xf32>
    %mul3A_77 = arith.mulf %exp3A, %sub3A_76 : vector<16xf32>
    %add3A_78 = arith.constant 1.000000e+00 : f32
    %add3A_79 = vector.broadcast %add3A_78 : f32 to vector<16xf32>
    %add3A_80 = arith.addf %add3A_79, %exp3A : vector<16xf32>
    %sub3A_81 = arith.constant 1.000000e+00 : f32
    %sub3A_82 = vector.broadcast %sub3A_81 : f32 to vector<16xf32>
    %sub3A_83 = arith.subf %mul3A_77, %sub3A_82 : vector<16xf32>
    %neg3A_84 = arith.constant 0.000000e+00 : f32
    %neg3A_85 = vector.broadcast %neg3A_84 : f32 to vector<16xf32>
    %neg3A_86 = arith.subf %neg3A_85, %mul3A_77 : vector<16xf32>
    %exp3A_87 = math.exp %neg3A_86 : vector<16xf32>
    %mul3A_88 = arith.mulf %add3A_80, %exp3A_87 : vector<16xf32>
    %add3A_89 = arith.addf %sub3A_83, %mul3A_88 : vector<16xf32>
    %sub3A_90 = arith.constant 1.000000e+00 : f32
    %sub3A_91 = vector.broadcast %sub3A_90 : f32 to vector<16xf32>
    %sub3A_92 = arith.subf %add3A_89, %sub3A_91 : vector<16xf32>
    %neg3A_93 = arith.constant 0.000000e+00 : f32
    %neg3A_94 = vector.broadcast %neg3A_93 : f32 to vector<16xf32>
    %neg3A_95 = arith.subf %neg3A_94, %add3A_89 : vector<16xf32>
    %exp3A_96 = math.exp %neg3A_95 : vector<16xf32>
    %mul3A_97 = arith.mulf %add3A_80, %exp3A_96 : vector<16xf32>
    %add3A_98 = arith.addf %sub3A_92, %mul3A_97 : vector<16xf32>
    %sub3A_99 = arith.constant 1.000000e+00 : f32
    %sub3A_100 = vector.broadcast %sub3A_99 : f32 to vector<16xf32>
    %sub3A_101 = arith.subf %add3A_98, %sub3A_100 : vector<16xf32>
    %neg3A_102 = arith.constant 0.000000e+00 : f32
    %neg3A_103 = vector.broadcast %neg3A_102 : f32 to vector<16xf32>
    %neg3A_104 = arith.subf %neg3A_103, %add3A_98 : vector<16xf32>
    %exp3A_105 = math.exp %neg3A_104 : vector<16xf32>
    %mul3A_106 = arith.mulf %add3A_80, %exp3A_105 : vector<16xf32>
    %add3A_107 = arith.addf %sub3A_101, %mul3A_106 : vector<16xf32>
    %sub3A_108 = arith.constant 1.000000e+00 : f32
    %sub3A_109 = vector.broadcast %sub3A_108 : f32 to vector<16xf32>
    %sub3A_110 = arith.subf %add3A_107, %sub3A_109 : vector<16xf32>
    %neg3A_111 = arith.constant 0.000000e+00 : f32
    %neg3A_112 = vector.broadcast %neg3A_111 : f32 to vector<16xf32>
    %neg3A_113 = arith.subf %neg3A_112, %add3A_107 : vector<16xf32>
    %exp3A_114 = math.exp %neg3A_113 : vector<16xf32>
    %mul3A_115 = arith.mulf %add3A_80, %exp3A_114 : vector<16xf32>
    %add3A_116 = arith.addf %sub3A_110, %mul3A_115 : vector<16xf32>
    %max3A = arith.constant 0.000000e+00 : f32
    %max3A_117 = vector.broadcast %max3A : f32 to vector<16xf32>
    %max3A_118 = arith.maximumf %get3A_66, %max3A_117 : vector<16xf32>
    %add3A_119 = arith.addf %max3A_118, %add3A_116 : vector<16xf32>
    %add3A_120 = arith.constant 9.99999993E-9 : f32
    %add3A_121 = vector.broadcast %add3A_120 : f32 to vector<16xf32>
    %add3A_122 = arith.addf %add3A_119, %add3A_121 : vector<16xf32>
    %reduce_sum3A = arith.constant true
    %reduce_sum3A_123 = vector.broadcast %reduce_sum3A : i1 to vector<16xi1>
    %reduce_sum3A_124 = tpu.scan <sum>, %add3A_122 masked %reduce_sum3A_123 : vector<16xf32>, vector<16xi1> -> vector<16xf32>
    %reduce_sum3A_125 = vector.extract %reduce_sum3A_124[15] : f32 from vector<16xf32>
    %div3A_126 = vector.broadcast %reduce_sum3A_125 : f32 to vector<16xf32>
    %div3A_127 = arith.divf %add3A_122, %div3A_126 : vector<16xf32>
    %broadcast_in_dim3A = arith.constant true
    %broadcast_in_dim3A_128 = vector.broadcast %broadcast_in_dim3A : i1 to vector<16xi1>
    %masked_cumsum3A = tpu.scan <sum>, %div3A_127 masked %broadcast_in_dim3A_128 : vector<16xf32>, vector<16xi1> -> vector<16xf32>
    %sub3A_129 = arith.subf %masked_cumsum3A, %div3A_127 : vector<16xf32>
    %mul3A_130 = arith.constant 1.600000e+01 : f32
    %mul3A_131 = vector.broadcast %mul3A_130 : f32 to vector<16xf32>
    %mul3A_132 = arith.mulf %div3A_127, %mul3A_131 : vector<16xf32>
    %iota3A = tpu.iota {dimensions = array<i32: 0>} : vector<16xi32>
    %convert_element_type3A = arith.sitofp %iota3A : vector<16xi32> to vector<16xf32>
    %mul3A_133 = arith.constant 6.250000e-02 : f32
    %mul3A_134 = vector.broadcast %mul3A_133 : f32 to vector<16xf32>
    %mul3A_135 = arith.mulf %convert_element_type3A, %mul3A_134 : vector<16xf32>
    %mul3A_136 = arith.mulf %mul3A_135, %mul3A_132 : vector<16xf32>
    %sub3A_137 = arith.subf %sub3A_129, %mul3A_136 : vector<16xf32>
    %max3A_138 = arith.constant 9.99999993E-9 : f32
    %max3A_139 = vector.broadcast %max3A_138 : f32 to vector<16xf32>
    %max3A_140 = arith.maximumf %mul3A_132, %max3A_139 : vector<16xf32>
    %swap3A = arith.constant 0 : index
    %swap3A_141 = tpu.vector_load %arg6[%swap3A] {strides = array<i32>} : memref<16xf32, #tpu.memory_space<vmem>>, vector<16xf32>,
    tpu.vector_store %arg6[%swap3A], %max3A_140 {strides = array<i32>} : memref<16xf32, #tpu.memory_space<vmem>>, vector<16xf32>,
    %swap3A_142 = arith.constant 0 : index
    %swap3A_143 = tpu.vector_load %arg7[%swap3A_142] {strides = array<i32>} : memref<16xf32, #tpu.memory_space<vmem>>, vector<16xf32>,
    tpu.vector_store %arg7[%swap3A_142], %sub3A_137 {strides = array<i32>} : memref<16xf32, #tpu.memory_space<vmem>>, vector<16xf32>,
    %scan3A = arith.constant 0 : i32
    %scan3A_144 = arith.constant 25 : i32
    %scan3A_145 = arith.addi %scan3A, %scan3A_144 : i32
    %scan3A_146 = arith.constant 1 : i32
    scf.for %scan3A_275 = %scan3A to %scan3A_145 step %scan3A_146  : i32 {
      %mul3A_276 = arith.constant 1 : i32
      %mul3A_277 = arith.muli %scan3A_275, %mul3A_276 : i32
      %add3A_278 = arith.constant 0 : i32
      %add3A_279 = arith.addi %add3A_278, %mul3A_277 : i32
      %rem3A = arith.constant 4 : i32
      %rem3A_280 = arith.remsi %add3A_279, %rem3A : i32
      %mul3A_281 = arith.constant 8 : i32
      %mul3A_282 = arith.muli %add3A_279, %mul3A_281 : i32
      %dma_wait3A_283 = arith.constant 0 : i32
      %dma_wait3A_284 = arith.constant 0 : i32
      %dma_wait3A_285 = tpu.memref_slice %arg8[%rem3A_280, %dma_wait3A_283, %dma_wait3A_284] : memref<4x8x512xf32, #tpu.memory_space<vmem>> -> memref<1x8x512xf32, #tpu.memory_space<vmem>>
      %dma_wait3A_286 = tpu.memref_squeeze %dma_wait3A_285 : memref<1x8x512xf32, #tpu.memory_space<vmem>> -> memref<8x512xf32, #tpu.memory_space<vmem>>
      %dma_wait3A_287 = tpu.memref_slice %arg2[%mul3A_282, %mul3A_2] : memref<200x16384xf32, #tpu.memory_space<hbm>> -> memref<8x512xf32, #tpu.memory_space<hbm>>
      %dma_wait3A_288 = tpu.memref_slice %arg11[%rem3A_280] : memref<4x!tpu.dma_semaphore, #tpu.memory_space<semaphore_mem>> -> memref<1x!tpu.dma_semaphore, #tpu.memory_space<semaphore_mem>>
      %dma_wait3A_289 = tpu.memref_squeeze %dma_wait3A_288 : memref<1x!tpu.dma_semaphore, #tpu.memory_space<semaphore_mem>> -> memref<!tpu.dma_semaphore, #tpu.memory_space<semaphore_mem>>
      %dma_wait3A_290 = arith.constant 0 : i32
      %dma_wait3A_291 = arith.constant 0 : i32
      %dma_wait3A_292 = tpu.memref_slice %arg8[%rem3A_280, %dma_wait3A_290, %dma_wait3A_291] : memref<4x8x512xf32, #tpu.memory_space<vmem>> -> memref<1x8x512xf32, #tpu.memory_space<vmem>>
      %dma_wait3A_293 = tpu.memref_squeeze %dma_wait3A_292 : memref<1x8x512xf32, #tpu.memory_space<vmem>> -> memref<8x512xf32, #tpu.memory_space<vmem>>
      %dma_wait3A_294 = tpu.memref_slice %arg2[%mul3A_282, %mul3A_2] : memref<200x16384xf32, #tpu.memory_space<hbm>> -> memref<8x512xf32, #tpu.memory_space<hbm>>
      tpu.wait_dma2 semaphore(%dma_wait3A_289 : memref<!tpu.dma_semaphore, #tpu.memory_space<semaphore_mem>>) src(%dma_wait3A_294 : memref<8x512xf32, #tpu.memory_space<hbm>>) dst(%dma_wait3A_293 : memref<8x512xf32, #tpu.memory_space<vmem>>)
      %ge3A = arith.constant 4 : i32
      %ge3A_295 = arith.cmpi sge, %add3A_279, %ge3A : i32
      %convert_element_type3A_296 = arith.extui %ge3A_295 : i1 to i32
      %cond3A = arith.constant 0 : i32
      %cond3A_297 = arith.cmpi ne, %convert_element_type3A_296, %cond3A : i32
      scf.if %cond3A_297 {
        %sub3A_334 = arith.constant 4 : i32
        %sub3A_335 = arith.subi %add3A_279, %sub3A_334 : i32
        %mul3A_336 = arith.constant 8 : i32
        %mul3A_337 = arith.muli %sub3A_335, %mul3A_336 : i32
        %dma_wait3A_338 = arith.constant 0 : i32
        %dma_wait3A_339 = arith.constant 0 : i32
        %dma_wait3A_340 = tpu.memref_slice %arg9[%rem3A_280, %dma_wait3A_338, %dma_wait3A_339] : memref<4x8x512xf32, #tpu.memory_space<vmem>> -> memref<1x8x512xf32, #tpu.memory_space<vmem>>
        %dma_wait3A_341 = tpu.memref_squeeze %dma_wait3A_340 : memref<1x8x512xf32, #tpu.memory_space<vmem>> -> memref<8x512xf32, #tpu.memory_space<vmem>>
        %dma_wait3A_342 = tpu.memref_slice %arg4[%mul3A_337, %mul3A_2] : memref<200x16384xf32, #tpu.memory_space<hbm>> -> memref<8x512xf32, #tpu.memory_space<hbm>>
        %dma_wait3A_343 = tpu.memref_slice %arg12[%rem3A_280] : memref<4x!tpu.dma_semaphore, #tpu.memory_space<semaphore_mem>> -> memref<1x!tpu.dma_semaphore, #tpu.memory_space<semaphore_mem>>
        %dma_wait3A_344 = tpu.memref_squeeze %dma_wait3A_343 : memref<1x!tpu.dma_semaphore, #tpu.memory_space<semaphore_mem>> -> memref<!tpu.dma_semaphore, #tpu.memory_space<semaphore_mem>>
        %dma_wait3A_345 = tpu.memref_slice %arg4[%mul3A_337, %mul3A_2] : memref<200x16384xf32, #tpu.memory_space<hbm>> -> memref<8x512xf32, #tpu.memory_space<hbm>>
        %dma_wait3A_346 = arith.constant 0 : i32
        %dma_wait3A_347 = arith.constant 0 : i32
        %dma_wait3A_348 = tpu.memref_slice %arg9[%rem3A_280, %dma_wait3A_346, %dma_wait3A_347] : memref<4x8x512xf32, #tpu.memory_space<vmem>> -> memref<1x8x512xf32, #tpu.memory_space<vmem>>
        %dma_wait3A_349 = tpu.memref_squeeze %dma_wait3A_348 : memref<1x8x512xf32, #tpu.memory_space<vmem>> -> memref<8x512xf32, #tpu.memory_space<vmem>>
        tpu.wait_dma2 semaphore(%dma_wait3A_344 : memref<!tpu.dma_semaphore, #tpu.memory_space<semaphore_mem>>) src(%dma_wait3A_349 : memref<8x512xf32, #tpu.memory_space<vmem>>) dst(%dma_wait3A_345 : memref<8x512xf32, #tpu.memory_space<hbm>>)
        %sub3A_350 = arith.constant 4 : i32
        %sub3A_351 = arith.subi %add3A_279, %sub3A_350 : i32
        %mul3A_352 = arith.constant 8 : i32
        %mul3A_353 = arith.muli %sub3A_351, %mul3A_352 : i32
        %dma_wait3A_354 = arith.constant 0 : i32
        %dma_wait3A_355 = arith.constant 0 : i32
        %dma_wait3A_356 = tpu.memref_slice %arg10[%rem3A_280, %dma_wait3A_354, %dma_wait3A_355] : memref<4x8x512xf32, #tpu.memory_space<vmem>> -> memref<1x8x512xf32, #tpu.memory_space<vmem>>
        %dma_wait3A_357 = tpu.memref_squeeze %dma_wait3A_356 : memref<1x8x512xf32, #tpu.memory_space<vmem>> -> memref<8x512xf32, #tpu.memory_space<vmem>>
        %dma_wait3A_358 = tpu.memref_slice %arg5[%mul3A_353, %mul3A_2] : memref<200x16384xf32, #tpu.memory_space<hbm>> -> memref<8x512xf32, #tpu.memory_space<hbm>>
        %dma_wait3A_359 = tpu.memref_slice %arg13[%rem3A_280] : memref<4x!tpu.dma_semaphore, #tpu.memory_space<semaphore_mem>> -> memref<1x!tpu.dma_semaphore, #tpu.memory_space<semaphore_mem>>
        %dma_wait3A_360 = tpu.memref_squeeze %dma_wait3A_359 : memref<1x!tpu.dma_semaphore, #tpu.memory_space<semaphore_mem>> -> memref<!tpu.dma_semaphore, #tpu.memory_space<semaphore_mem>>
        %dma_wait3A_361 = tpu.memref_slice %arg5[%mul3A_353, %mul3A_2] : memref<200x16384xf32, #tpu.memory_space<hbm>> -> memref<8x512xf32, #tpu.memory_space<hbm>>
        %dma_wait3A_362 = arith.constant 0 : i32
        %dma_wait3A_363 = arith.constant 0 : i32
        %dma_wait3A_364 = tpu.memref_slice %arg10[%rem3A_280, %dma_wait3A_362, %dma_wait3A_363] : memref<4x8x512xf32, #tpu.memory_space<vmem>> -> memref<1x8x512xf32, #tpu.memory_space<vmem>>
        %dma_wait3A_365 = tpu.memref_squeeze %dma_wait3A_364 : memref<1x8x512xf32, #tpu.memory_space<vmem>> -> memref<8x512xf32, #tpu.memory_space<vmem>>
        tpu.wait_dma2 semaphore(%dma_wait3A_360 : memref<!tpu.dma_semaphore, #tpu.memory_space<semaphore_mem>>) src(%dma_wait3A_365 : memref<8x512xf32, #tpu.memory_space<vmem>>) dst(%dma_wait3A_361 : memref<8x512xf32, #tpu.memory_space<hbm>>)
      } else {
      }
      %parallel_loop3A = arith.constant 0 : i32
      %parallel_loop3A_298 = arith.constant 512 : i32
      %parallel_loop3A_299 = arith.constant 16 : i32
      scf.for %parallel_loop3A_334 = %parallel_loop3A to %parallel_loop3A_298 step %parallel_loop3A_299  : i32 {
        %parallel_loop3A_335 = arith.constant 0 : i32
        %parallel_loop3A_336 = arith.index_cast %rem3A_280 : i32 to index
        %parallel_loop3A_337 = arith.index_cast %parallel_loop3A_335 : i32 to index
        %parallel_loop3A_338 = arith.index_cast %parallel_loop3A_334 : i32 to index
        %parallel_loop3A_339 = tpu.vector_load %arg8[%parallel_loop3A_336, %parallel_loop3A_337, %parallel_loop3A_338] {strides = array<i32>} : memref<4x8x512xf32, #tpu.memory_space<vmem>>, vector<16xf32>,
        %parallel_loop3A_340 = arith.constant 1.600000e+01 : f32
        %parallel_loop3A_341 = vector.broadcast %parallel_loop3A_340 : f32 to vector<16xf32>
        %parallel_loop3A_342 = arith.mulf %parallel_loop3A_339, %parallel_loop3A_341 : vector<16xf32>
        %parallel_loop3A_343 = arith.fptosi %parallel_loop3A_342 : vector<16xf32> to vector<16xi32>
        %parallel_loop3A_344 = tpu.vector_load_idx %arg6[%parallel_loop3A_343] : memref<16xf32, #tpu.memory_space<vmem>>[vector<16xi32>], vector<16xf32>,
        %parallel_loop3A_345 = tpu.vector_load_idx %arg7[%parallel_loop3A_343] : memref<16xf32, #tpu.memory_space<vmem>>[vector<16xi32>], vector<16xf32>,
        %parallel_loop3A_346 = arith.mulf %parallel_loop3A_339, %parallel_loop3A_344 : vector<16xf32>
        %parallel_loop3A_347 = arith.addf %parallel_loop3A_345, %parallel_loop3A_346 : vector<16xf32>
        %parallel_loop3A_348 = arith.constant 9.99999997E-7 : f32
        %parallel_loop3A_349 = vector.broadcast %parallel_loop3A_348 : f32 to vector<16xf32>
        %parallel_loop3A_350 = arith.maximumf %parallel_loop3A_347, %parallel_loop3A_349 : vector<16xf32>
        %parallel_loop3A_351 = arith.constant 0.999998986 : f32
        %parallel_loop3A_352 = vector.broadcast %parallel_loop3A_351 : f32 to vector<16xf32>
        %parallel_loop3A_353 = arith.minimumf %parallel_loop3A_350, %parallel_loop3A_352 : vector<16xf32>
        %parallel_loop3A_354 = arith.constant 0 : i32
        %parallel_loop3A_355 = arith.index_cast %rem3A_280 : i32 to index
        %parallel_loop3A_356 = arith.index_cast %parallel_loop3A_354 : i32 to index
        %parallel_loop3A_357 = arith.index_cast %parallel_loop3A_334 : i32 to index
        %parallel_loop3A_358 = tpu.vector_load %arg9[%parallel_loop3A_355, %parallel_loop3A_356, %parallel_loop3A_357] {strides = array<i32>} : memref<4x8x512xf32, #tpu.memory_space<vmem>>, vector<16xf32>,
        tpu.vector_store %arg9[%parallel_loop3A_355, %parallel_loop3A_356, %parallel_loop3A_357], %parallel_loop3A_353 {strides = array<i32>} : memref<4x8x512xf32, #tpu.memory_space<vmem>>, vector<16xf32>,
        %parallel_loop3A_359 = arith.constant 0 : i32
        %parallel_loop3A_360 = arith.index_cast %rem3A_280 : i32 to index
        %parallel_loop3A_361 = arith.index_cast %parallel_loop3A_359 : i32 to index
        %parallel_loop3A_362 = arith.index_cast %parallel_loop3A_334 : i32 to index
        %parallel_loop3A_363 = tpu.vector_load %arg10[%parallel_loop3A_360, %parallel_loop3A_361, %parallel_loop3A_362] {strides = array<i32>} : memref<4x8x512xf32, #tpu.memory_space<vmem>>, vector<16xf32>,
        tpu.vector_store %arg10[%parallel_loop3A_360, %parallel_loop3A_361, %parallel_loop3A_362], %parallel_loop3A_344 {strides = array<i32>} : memref<4x8x512xf32, #tpu.memory_space<vmem>>, vector<16xf32>,
        %parallel_loop3A_364 = arith.constant 1 : i32
        %parallel_loop3A_365 = arith.index_cast %rem3A_280 : i32 to index
        %parallel_loop3A_366 = arith.index_cast %parallel_loop3A_364 : i32 to index
        %parallel_loop3A_367 = arith.index_cast %parallel_loop3A_334 : i32 to index
        %parallel_loop3A_368 = tpu.vector_load %arg8[%parallel_loop3A_365, %parallel_loop3A_366, %parallel_loop3A_367] {strides = array<i32>} : memref<4x8x512xf32, #tpu.memory_space<vmem>>, vector<16xf32>,
        %parallel_loop3A_369 = arith.constant 1.600000e+01 : f32
        %parallel_loop3A_370 = vector.broadcast %parallel_loop3A_369 : f32 to vector<16xf32>
        %parallel_loop3A_371 = arith.mulf %parallel_loop3A_368, %parallel_loop3A_370 : vector<16xf32>
        %parallel_loop3A_372 = arith.fptosi %parallel_loop3A_371 : vector<16xf32> to vector<16xi32>
        %parallel_loop3A_373 = tpu.vector_load_idx %arg6[%parallel_loop3A_372] : memref<16xf32, #tpu.memory_space<vmem>>[vector<16xi32>], vector<16xf32>,
        %parallel_loop3A_374 = tpu.vector_load_idx %arg7[%parallel_loop3A_372] : memref<16xf32, #tpu.memory_space<vmem>>[vector<16xi32>], vector<16xf32>,
        %parallel_loop3A_375 = arith.mulf %parallel_loop3A_368, %parallel_loop3A_373 : vector<16xf32>
        %parallel_loop3A_376 = arith.addf %parallel_loop3A_374, %parallel_loop3A_375 : vector<16xf32>
        %parallel_loop3A_377 = arith.constant 9.99999997E-7 : f32
        %parallel_loop3A_378 = vector.broadcast %parallel_loop3A_377 : f32 to vector<16xf32>
        %parallel_loop3A_379 = arith.maximumf %parallel_loop3A_376, %parallel_loop3A_378 : vector<16xf32>
        %parallel_loop3A_380 = arith.constant 0.999998986 : f32
        %parallel_loop3A_381 = vector.broadcast %parallel_loop3A_380 : f32 to vector<16xf32>
        %parallel_loop3A_382 = arith.minimumf %parallel_loop3A_379, %parallel_loop3A_381 : vector<16xf32>
        %parallel_loop3A_383 = arith.constant 1 : i32
        %parallel_loop3A_384 = arith.index_cast %rem3A_280 : i32 to index
        %parallel_loop3A_385 = arith.index_cast %parallel_loop3A_383 : i32 to index
        %parallel_loop3A_386 = arith.index_cast %parallel_loop3A_334 : i32 to index
        %parallel_loop3A_387 = tpu.vector_load %arg9[%parallel_loop3A_384, %parallel_loop3A_385, %parallel_loop3A_386] {strides = array<i32>} : memref<4x8x512xf32, #tpu.memory_space<vmem>>, vector<16xf32>,
        tpu.vector_store %arg9[%parallel_loop3A_384, %parallel_loop3A_385, %parallel_loop3A_386], %parallel_loop3A_382 {strides = array<i32>} : memref<4x8x512xf32, #tpu.memory_space<vmem>>, vector<16xf32>,
        %parallel_loop3A_388 = arith.constant 1 : i32
        %parallel_loop3A_389 = arith.index_cast %rem3A_280 : i32 to index
        %parallel_loop3A_390 = arith.index_cast %parallel_loop3A_388 : i32 to index
        %parallel_loop3A_391 = arith.index_cast %parallel_loop3A_334 : i32 to index
        %parallel_loop3A_392 = tpu.vector_load %arg10[%parallel_loop3A_389, %parallel_loop3A_390, %parallel_loop3A_391] {strides = array<i32>} : memref<4x8x512xf32, #tpu.memory_space<vmem>>, vector<16xf32>,
        tpu.vector_store %arg10[%parallel_loop3A_389, %parallel_loop3A_390, %parallel_loop3A_391], %parallel_loop3A_373 {strides = array<i32>} : memref<4x8x512xf32, #tpu.memory_space<vmem>>, vector<16xf32>,
        %parallel_loop3A_393 = arith.constant 2 : i32
        %parallel_loop3A_394 = arith.index_cast %rem3A_280 : i32 to index
        %parallel_loop3A_395 = arith.index_cast %parallel_loop3A_393 : i32 to index
        %parallel_loop3A_396 = arith.index_cast %parallel_loop3A_334 : i32 to index
        %parallel_loop3A_397 = tpu.vector_load %arg8[%parallel_loop3A_394, %parallel_loop3A_395, %parallel_loop3A_396] {strides = array<i32>} : memref<4x8x512xf32, #tpu.memory_space<vmem>>, vector<16xf32>,
        %parallel_loop3A_398 = arith.constant 1.600000e+01 : f32
        %parallel_loop3A_399 = vector.broadcast %parallel_loop3A_398 : f32 to vector<16xf32>
        %parallel_loop3A_400 = arith.mulf %parallel_loop3A_397, %parallel_loop3A_399 : vector<16xf32>
        %parallel_loop3A_401 = arith.fptosi %parallel_loop3A_400 : vector<16xf32> to vector<16xi32>
        %parallel_loop3A_402 = tpu.vector_load_idx %arg6[%parallel_loop3A_401] : memref<16xf32, #tpu.memory_space<vmem>>[vector<16xi32>], vector<16xf32>,
        %parallel_loop3A_403 = tpu.vector_load_idx %arg7[%parallel_loop3A_401] : memref<16xf32, #tpu.memory_space<vmem>>[vector<16xi32>], vector<16xf32>,
        %parallel_loop3A_404 = arith.mulf %parallel_loop3A_397, %parallel_loop3A_402 : vector<16xf32>
        %parallel_loop3A_405 = arith.addf %parallel_loop3A_403, %parallel_loop3A_404 : vector<16xf32>
        %parallel_loop3A_406 = arith.constant 9.99999997E-7 : f32
        %parallel_loop3A_407 = vector.broadcast %parallel_loop3A_406 : f32 to vector<16xf32>
        %parallel_loop3A_408 = arith.maximumf %parallel_loop3A_405, %parallel_loop3A_407 : vector<16xf32>
        %parallel_loop3A_409 = arith.constant 0.999998986 : f32
        %parallel_loop3A_410 = vector.broadcast %parallel_loop3A_409 : f32 to vector<16xf32>
        %parallel_loop3A_411 = arith.minimumf %parallel_loop3A_408, %parallel_loop3A_410 : vector<16xf32>
        %parallel_loop3A_412 = arith.constant 2 : i32
        %parallel_loop3A_413 = arith.index_cast %rem3A_280 : i32 to index
        %parallel_loop3A_414 = arith.index_cast %parallel_loop3A_412 : i32 to index
        %parallel_loop3A_415 = arith.index_cast %parallel_loop3A_334 : i32 to index
        %parallel_loop3A_416 = tpu.vector_load %arg9[%parallel_loop3A_413, %parallel_loop3A_414, %parallel_loop3A_415] {strides = array<i32>} : memref<4x8x512xf32, #tpu.memory_space<vmem>>, vector<16xf32>,
        tpu.vector_store %arg9[%parallel_loop3A_413, %parallel_loop3A_414, %parallel_loop3A_415], %parallel_loop3A_411 {strides = array<i32>} : memref<4x8x512xf32, #tpu.memory_space<vmem>>, vector<16xf32>,
        %parallel_loop3A_417 = arith.constant 2 : i32
        %parallel_loop3A_418 = arith.index_cast %rem3A_280 : i32 to index
        %parallel_loop3A_419 = arith.index_cast %parallel_loop3A_417 : i32 to index
        %parallel_loop3A_420 = arith.index_cast %parallel_loop3A_334 : i32 to index
        %parallel_loop3A_421 = tpu.vector_load %arg10[%parallel_loop3A_418, %parallel_loop3A_419, %parallel_loop3A_420] {strides = array<i32>} : memref<4x8x512xf32, #tpu.memory_space<vmem>>, vector<16xf32>,
        tpu.vector_store %arg10[%parallel_loop3A_418, %parallel_loop3A_419, %parallel_loop3A_420], %parallel_loop3A_402 {strides = array<i32>} : memref<4x8x512xf32, #tpu.memory_space<vmem>>, vector<16xf32>,
        %parallel_loop3A_422 = arith.constant 3 : i32
        %parallel_loop3A_423 = arith.index_cast %rem3A_280 : i32 to index
        %parallel_loop3A_424 = arith.index_cast %parallel_loop3A_422 : i32 to index
        %parallel_loop3A_425 = arith.index_cast %parallel_loop3A_334 : i32 to index
        %parallel_loop3A_426 = tpu.vector_load %arg8[%parallel_loop3A_423, %parallel_loop3A_424, %parallel_loop3A_425] {strides = array<i32>} : memref<4x8x512xf32, #tpu.memory_space<vmem>>, vector<16xf32>,
        %parallel_loop3A_427 = arith.constant 1.600000e+01 : f32
        %parallel_loop3A_428 = vector.broadcast %parallel_loop3A_427 : f32 to vector<16xf32>
        %parallel_loop3A_429 = arith.mulf %parallel_loop3A_426, %parallel_loop3A_428 : vector<16xf32>
        %parallel_loop3A_430 = arith.fptosi %parallel_loop3A_429 : vector<16xf32> to vector<16xi32>
        %parallel_loop3A_431 = tpu.vector_load_idx %arg6[%parallel_loop3A_430] : memref<16xf32, #tpu.memory_space<vmem>>[vector<16xi32>], vector<16xf32>,
        %parallel_loop3A_432 = tpu.vector_load_idx %arg7[%parallel_loop3A_430] : memref<16xf32, #tpu.memory_space<vmem>>[vector<16xi32>], vector<16xf32>,
        %parallel_loop3A_433 = arith.mulf %parallel_loop3A_426, %parallel_loop3A_431 : vector<16xf32>
        %parallel_loop3A_434 = arith.addf %parallel_loop3A_432, %parallel_loop3A_433 : vector<16xf32>
        %parallel_loop3A_435 = arith.constant 9.99999997E-7 : f32
        %parallel_loop3A_436 = vector.broadcast %parallel_loop3A_435 : f32 to vector<16xf32>
        %parallel_loop3A_437 = arith.maximumf %parallel_loop3A_434, %parallel_loop3A_436 : vector<16xf32>
        %parallel_loop3A_438 = arith.constant 0.999998986 : f32
        %parallel_loop3A_439 = vector.broadcast %parallel_loop3A_438 : f32 to vector<16xf32>
        %parallel_loop3A_440 = arith.minimumf %parallel_loop3A_437, %parallel_loop3A_439 : vector<16xf32>
        %parallel_loop3A_441 = arith.constant 3 : i32
        %parallel_loop3A_442 = arith.index_cast %rem3A_280 : i32 to index
        %parallel_loop3A_443 = arith.index_cast %parallel_loop3A_441 : i32 to index
        %parallel_loop3A_444 = arith.index_cast %parallel_loop3A_334 : i32 to index
        %parallel_loop3A_445 = tpu.vector_load %arg9[%parallel_loop3A_442, %parallel_loop3A_443, %parallel_loop3A_444] {strides = array<i32>} : memref<4x8x512xf32, #tpu.memory_space<vmem>>, vector<16xf32>,
        tpu.vector_store %arg9[%parallel_loop3A_442, %parallel_loop3A_443, %parallel_loop3A_444], %parallel_loop3A_440 {strides = array<i32>} : memref<4x8x512xf32, #tpu.memory_space<vmem>>, vector<16xf32>,
        %parallel_loop3A_446 = arith.constant 3 : i32
        %parallel_loop3A_447 = arith.index_cast %rem3A_280 : i32 to index
        %parallel_loop3A_448 = arith.index_cast %parallel_loop3A_446 : i32 to index
        %parallel_loop3A_449 = arith.index_cast %parallel_loop3A_334 : i32 to index
        %parallel_loop3A_450 = tpu.vector_load %arg10[%parallel_loop3A_447, %parallel_loop3A_448, %parallel_loop3A_449] {strides = array<i32>} : memref<4x8x512xf32, #tpu.memory_space<vmem>>, vector<16xf32>,
        tpu.vector_store %arg10[%parallel_loop3A_447, %parallel_loop3A_448, %parallel_loop3A_449], %parallel_loop3A_431 {strides = array<i32>} : memref<4x8x512xf32, #tpu.memory_space<vmem>>, vector<16xf32>,
        %parallel_loop3A_451 = arith.constant 4 : i32
        %parallel_loop3A_452 = arith.index_cast %rem3A_280 : i32 to index
        %parallel_loop3A_453 = arith.index_cast %parallel_loop3A_451 : i32 to index
        %parallel_loop3A_454 = arith.index_cast %parallel_loop3A_334 : i32 to index
        %parallel_loop3A_455 = tpu.vector_load %arg8[%parallel_loop3A_452, %parallel_loop3A_453, %parallel_loop3A_454] {strides = array<i32>} : memref<4x8x512xf32, #tpu.memory_space<vmem>>, vector<16xf32>,
        %parallel_loop3A_456 = arith.constant 1.600000e+01 : f32
        %parallel_loop3A_457 = vector.broadcast %parallel_loop3A_456 : f32 to vector<16xf32>
        %parallel_loop3A_458 = arith.mulf %parallel_loop3A_455, %parallel_loop3A_457 : vector<16xf32>
        %parallel_loop3A_459 = arith.fptosi %parallel_loop3A_458 : vector<16xf32> to vector<16xi32>
        %parallel_loop3A_460 = tpu.vector_load_idx %arg6[%parallel_loop3A_459] : memref<16xf32, #tpu.memory_space<vmem>>[vector<16xi32>], vector<16xf32>,
        %parallel_loop3A_461 = tpu.vector_load_idx %arg7[%parallel_loop3A_459] : memref<16xf32, #tpu.memory_space<vmem>>[vector<16xi32>], vector<16xf32>,
        %parallel_loop3A_462 = arith.mulf %parallel_loop3A_455, %parallel_loop3A_460 : vector<16xf32>
        %parallel_loop3A_463 = arith.addf %parallel_loop3A_461, %parallel_loop3A_462 : vector<16xf32>
        %parallel_loop3A_464 = arith.constant 9.99999997E-7 : f32
        %parallel_loop3A_465 = vector.broadcast %parallel_loop3A_464 : f32 to vector<16xf32>
        %parallel_loop3A_466 = arith.maximumf %parallel_loop3A_463, %parallel_loop3A_465 : vector<16xf32>
        %parallel_loop3A_467 = arith.constant 0.999998986 : f32
        %parallel_loop3A_468 = vector.broadcast %parallel_loop3A_467 : f32 to vector<16xf32>
        %parallel_loop3A_469 = arith.minimumf %parallel_loop3A_466, %parallel_loop3A_468 : vector<16xf32>
        %parallel_loop3A_470 = arith.constant 4 : i32
        %parallel_loop3A_471 = arith.index_cast %rem3A_280 : i32 to index
        %parallel_loop3A_472 = arith.index_cast %parallel_loop3A_470 : i32 to index
        %parallel_loop3A_473 = arith.index_cast %parallel_loop3A_334 : i32 to index
        %parallel_loop3A_474 = tpu.vector_load %arg9[%parallel_loop3A_471, %parallel_loop3A_472, %parallel_loop3A_473] {strides = array<i32>} : memref<4x8x512xf32, #tpu.memory_space<vmem>>, vector<16xf32>,
        tpu.vector_store %arg9[%parallel_loop3A_471, %parallel_loop3A_472, %parallel_loop3A_473], %parallel_loop3A_469 {strides = array<i32>} : memref<4x8x512xf32, #tpu.memory_space<vmem>>, vector<16xf32>,
        %parallel_loop3A_475 = arith.constant 4 : i32
        %parallel_loop3A_476 = arith.index_cast %rem3A_280 : i32 to index
        %parallel_loop3A_477 = arith.index_cast %parallel_loop3A_475 : i32 to index
        %parallel_loop3A_478 = arith.index_cast %parallel_loop3A_334 : i32 to index
        %parallel_loop3A_479 = tpu.vector_load %arg10[%parallel_loop3A_476, %parallel_loop3A_477, %parallel_loop3A_478] {strides = array<i32>} : memref<4x8x512xf32, #tpu.memory_space<vmem>>, vector<16xf32>,
        tpu.vector_store %arg10[%parallel_loop3A_476, %parallel_loop3A_477, %parallel_loop3A_478], %parallel_loop3A_460 {strides = array<i32>} : memref<4x8x512xf32, #tpu.memory_space<vmem>>, vector<16xf32>,
        %parallel_loop3A_480 = arith.constant 5 : i32
        %parallel_loop3A_481 = arith.index_cast %rem3A_280 : i32 to index
        %parallel_loop3A_482 = arith.index_cast %parallel_loop3A_480 : i32 to index
        %parallel_loop3A_483 = arith.index_cast %parallel_loop3A_334 : i32 to index
        %parallel_loop3A_484 = tpu.vector_load %arg8[%parallel_loop3A_481, %parallel_loop3A_482, %parallel_loop3A_483] {strides = array<i32>} : memref<4x8x512xf32, #tpu.memory_space<vmem>>, vector<16xf32>,
        %parallel_loop3A_485 = arith.constant 1.600000e+01 : f32
        %parallel_loop3A_486 = vector.broadcast %parallel_loop3A_485 : f32 to vector<16xf32>
        %parallel_loop3A_487 = arith.mulf %parallel_loop3A_484, %parallel_loop3A_486 : vector<16xf32>
        %parallel_loop3A_488 = arith.fptosi %parallel_loop3A_487 : vector<16xf32> to vector<16xi32>
        %parallel_loop3A_489 = tpu.vector_load_idx %arg6[%parallel_loop3A_488] : memref<16xf32, #tpu.memory_space<vmem>>[vector<16xi32>], vector<16xf32>,
        %parallel_loop3A_490 = tpu.vector_load_idx %arg7[%parallel_loop3A_488] : memref<16xf32, #tpu.memory_space<vmem>>[vector<16xi32>], vector<16xf32>,
        %parallel_loop3A_491 = arith.mulf %parallel_loop3A_484, %parallel_loop3A_489 : vector<16xf32>
        %parallel_loop3A_492 = arith.addf %parallel_loop3A_490, %parallel_loop3A_491 : vector<16xf32>
        %parallel_loop3A_493 = arith.constant 9.99999997E-7 : f32
        %parallel_loop3A_494 = vector.broadcast %parallel_loop3A_493 : f32 to vector<16xf32>
        %parallel_loop3A_495 = arith.maximumf %parallel_loop3A_492, %parallel_loop3A_494 : vector<16xf32>
        %parallel_loop3A_496 = arith.constant 0.999998986 : f32
        %parallel_loop3A_497 = vector.broadcast %parallel_loop3A_496 : f32 to vector<16xf32>
        %parallel_loop3A_498 = arith.minimumf %parallel_loop3A_495, %parallel_loop3A_497 : vector<16xf32>
        %parallel_loop3A_499 = arith.constant 5 : i32
        %parallel_loop3A_500 = arith.index_cast %rem3A_280 : i32 to index
        %parallel_loop3A_501 = arith.index_cast %parallel_loop3A_499 : i32 to index
        %parallel_loop3A_502 = arith.index_cast %parallel_loop3A_334 : i32 to index
        %parallel_loop3A_503 = tpu.vector_load %arg9[%parallel_loop3A_500, %parallel_loop3A_501, %parallel_loop3A_502] {strides = array<i32>} : memref<4x8x512xf32, #tpu.memory_space<vmem>>, vector<16xf32>,
        tpu.vector_store %arg9[%parallel_loop3A_500, %parallel_loop3A_501, %parallel_loop3A_502], %parallel_loop3A_498 {strides = array<i32>} : memref<4x8x512xf32, #tpu.memory_space<vmem>>, vector<16xf32>,
        %parallel_loop3A_504 = arith.constant 5 : i32
        %parallel_loop3A_505 = arith.index_cast %rem3A_280 : i32 to index
        %parallel_loop3A_506 = arith.index_cast %parallel_loop3A_504 : i32 to index
        %parallel_loop3A_507 = arith.index_cast %parallel_loop3A_334 : i32 to index
        %parallel_loop3A_508 = tpu.vector_load %arg10[%parallel_loop3A_505, %parallel_loop3A_506, %parallel_loop3A_507] {strides = array<i32>} : memref<4x8x512xf32, #tpu.memory_space<vmem>>, vector<16xf32>,
        tpu.vector_store %arg10[%parallel_loop3A_505, %parallel_loop3A_506, %parallel_loop3A_507], %parallel_loop3A_489 {strides = array<i32>} : memref<4x8x512xf32, #tpu.memory_space<vmem>>, vector<16xf32>,
        %parallel_loop3A_509 = arith.constant 6 : i32
        %parallel_loop3A_510 = arith.index_cast %rem3A_280 : i32 to index
        %parallel_loop3A_511 = arith.index_cast %parallel_loop3A_509 : i32 to index
        %parallel_loop3A_512 = arith.index_cast %parallel_loop3A_334 : i32 to index
        %parallel_loop3A_513 = tpu.vector_load %arg8[%parallel_loop3A_510, %parallel_loop3A_511, %parallel_loop3A_512] {strides = array<i32>} : memref<4x8x512xf32, #tpu.memory_space<vmem>>, vector<16xf32>,
        %parallel_loop3A_514 = arith.constant 1.600000e+01 : f32
        %parallel_loop3A_515 = vector.broadcast %parallel_loop3A_514 : f32 to vector<16xf32>
        %parallel_loop3A_516 = arith.mulf %parallel_loop3A_513, %parallel_loop3A_515 : vector<16xf32>
        %parallel_loop3A_517 = arith.fptosi %parallel_loop3A_516 : vector<16xf32> to vector<16xi32>
        %parallel_loop3A_518 = tpu.vector_load_idx %arg6[%parallel_loop3A_517] : memref<16xf32, #tpu.memory_space<vmem>>[vector<16xi32>], vector<16xf32>,
        %parallel_loop3A_519 = tpu.vector_load_idx %arg7[%parallel_loop3A_517] : memref<16xf32, #tpu.memory_space<vmem>>[vector<16xi32>], vector<16xf32>,
        %parallel_loop3A_520 = arith.mulf %parallel_loop3A_513, %parallel_loop3A_518 : vector<16xf32>
        %parallel_loop3A_521 = arith.addf %parallel_loop3A_519, %parallel_loop3A_520 : vector<16xf32>
        %parallel_loop3A_522 = arith.constant 9.99999997E-7 : f32
        %parallel_loop3A_523 = vector.broadcast %parallel_loop3A_522 : f32 to vector<16xf32>
        %parallel_loop3A_524 = arith.maximumf %parallel_loop3A_521, %parallel_loop3A_523 : vector<16xf32>
        %parallel_loop3A_525 = arith.constant 0.999998986 : f32
        %parallel_loop3A_526 = vector.broadcast %parallel_loop3A_525 : f32 to vector<16xf32>
        %parallel_loop3A_527 = arith.minimumf %parallel_loop3A_524, %parallel_loop3A_526 : vector<16xf32>
        %parallel_loop3A_528 = arith.constant 6 : i32
        %parallel_loop3A_529 = arith.index_cast %rem3A_280 : i32 to index
        %parallel_loop3A_530 = arith.index_cast %parallel_loop3A_528 : i32 to index
        %parallel_loop3A_531 = arith.index_cast %parallel_loop3A_334 : i32 to index
        %parallel_loop3A_532 = tpu.vector_load %arg9[%parallel_loop3A_529, %parallel_loop3A_530, %parallel_loop3A_531] {strides = array<i32>} : memref<4x8x512xf32, #tpu.memory_space<vmem>>, vector<16xf32>,
        tpu.vector_store %arg9[%parallel_loop3A_529, %parallel_loop3A_530, %parallel_loop3A_531], %parallel_loop3A_527 {strides = array<i32>} : memref<4x8x512xf32, #tpu.memory_space<vmem>>, vector<16xf32>,
        %parallel_loop3A_533 = arith.constant 6 : i32
        %parallel_loop3A_534 = arith.index_cast %rem3A_280 : i32 to index
        %parallel_loop3A_535 = arith.index_cast %parallel_loop3A_533 : i32 to index
        %parallel_loop3A_536 = arith.index_cast %parallel_loop3A_334 : i32 to index
        %parallel_loop3A_537 = tpu.vector_load %arg10[%parallel_loop3A_534, %parallel_loop3A_535, %parallel_loop3A_536] {strides = array<i32>} : memref<4x8x512xf32, #tpu.memory_space<vmem>>, vector<16xf32>,
        tpu.vector_store %arg10[%parallel_loop3A_534, %parallel_loop3A_535, %parallel_loop3A_536], %parallel_loop3A_518 {strides = array<i32>} : memref<4x8x512xf32, #tpu.memory_space<vmem>>, vector<16xf32>,
        %parallel_loop3A_538 = arith.constant 7 : i32
        %parallel_loop3A_539 = arith.index_cast %rem3A_280 : i32 to index
        %parallel_loop3A_540 = arith.index_cast %parallel_loop3A_538 : i32 to index
        %parallel_loop3A_541 = arith.index_cast %parallel_loop3A_334 : i32 to index
        %parallel_loop3A_542 = tpu.vector_load %arg8[%parallel_loop3A_539, %parallel_loop3A_540, %parallel_loop3A_541] {strides = array<i32>} : memref<4x8x512xf32, #tpu.memory_space<vmem>>, vector<16xf32>,
        %parallel_loop3A_543 = arith.constant 1.600000e+01 : f32
        %parallel_loop3A_544 = vector.broadcast %parallel_loop3A_543 : f32 to vector<16xf32>
        %parallel_loop3A_545 = arith.mulf %parallel_loop3A_542, %parallel_loop3A_544 : vector<16xf32>
        %parallel_loop3A_546 = arith.fptosi %parallel_loop3A_545 : vector<16xf32> to vector<16xi32>
        %parallel_loop3A_547 = tpu.vector_load_idx %arg6[%parallel_loop3A_546] : memref<16xf32, #tpu.memory_space<vmem>>[vector<16xi32>], vector<16xf32>,
        %parallel_loop3A_548 = tpu.vector_load_idx %arg7[%parallel_loop3A_546] : memref<16xf32, #tpu.memory_space<vmem>>[vector<16xi32>], vector<16xf32>,
        %parallel_loop3A_549 = arith.mulf %parallel_loop3A_542, %parallel_loop3A_547 : vector<16xf32>
        %parallel_loop3A_550 = arith.addf %parallel_loop3A_548, %parallel_loop3A_549 : vector<16xf32>
        %parallel_loop3A_551 = arith.constant 9.99999997E-7 : f32
        %parallel_loop3A_552 = vector.broadcast %parallel_loop3A_551 : f32 to vector<16xf32>
        %parallel_loop3A_553 = arith.maximumf %parallel_loop3A_550, %parallel_loop3A_552 : vector<16xf32>
        %parallel_loop3A_554 = arith.constant 0.999998986 : f32
        %parallel_loop3A_555 = vector.broadcast %parallel_loop3A_554 : f32 to vector<16xf32>
        %parallel_loop3A_556 = arith.minimumf %parallel_loop3A_553, %parallel_loop3A_555 : vector<16xf32>
        %parallel_loop3A_557 = arith.constant 7 : i32
        %parallel_loop3A_558 = arith.index_cast %rem3A_280 : i32 to index
        %parallel_loop3A_559 = arith.index_cast %parallel_loop3A_557 : i32 to index
        %parallel_loop3A_560 = arith.index_cast %parallel_loop3A_334 : i32 to index
        %parallel_loop3A_561 = tpu.vector_load %arg9[%parallel_loop3A_558, %parallel_loop3A_559, %parallel_loop3A_560] {strides = array<i32>} : memref<4x8x512xf32, #tpu.memory_space<vmem>>, vector<16xf32>,
        tpu.vector_store %arg9[%parallel_loop3A_558, %parallel_loop3A_559, %parallel_loop3A_560], %parallel_loop3A_556 {strides = array<i32>} : memref<4x8x512xf32, #tpu.memory_space<vmem>>, vector<16xf32>,
        %parallel_loop3A_562 = arith.constant 7 : i32
        %parallel_loop3A_563 = arith.index_cast %rem3A_280 : i32 to index
        %parallel_loop3A_564 = arith.index_cast %parallel_loop3A_562 : i32 to index
        %parallel_loop3A_565 = arith.index_cast %parallel_loop3A_334 : i32 to index
        %parallel_loop3A_566 = tpu.vector_load %arg10[%parallel_loop3A_563, %parallel_loop3A_564, %parallel_loop3A_565] {strides = array<i32>} : memref<4x8x512xf32, #tpu.memory_space<vmem>>, vector<16xf32>,
        tpu.vector_store %arg10[%parallel_loop3A_563, %parallel_loop3A_564, %parallel_loop3A_565], %parallel_loop3A_547 {strides = array<i32>} : memref<4x8x512xf32, #tpu.memory_space<vmem>>, vector<16xf32>,
      } {sc.loop_unroll_factor = 4 : i64, sc.parallel_access}
      %mul3A_300 = arith.constant 8 : i32
      %mul3A_301 = arith.muli %add3A_279, %mul3A_300 : i32
      %dma_start3A_302 = arith.constant 0 : i32
      %dma_start3A_303 = arith.constant 0 : i32
      %dma_start3A_304 = tpu.memref_slice %arg9[%rem3A_280, %dma_start3A_302, %dma_start3A_303] : memref<4x8x512xf32, #tpu.memory_space<vmem>> -> memref<1x8x512xf32, #tpu.memory_space<vmem>>
      %dma_start3A_305 = tpu.memref_squeeze %dma_start3A_304 : memref<1x8x512xf32, #tpu.memory_space<vmem>> -> memref<8x512xf32, #tpu.memory_space<vmem>>
      %dma_start3A_306 = tpu.memref_slice %arg4[%mul3A_301, %mul3A_2] : memref<200x16384xf32, #tpu.memory_space<hbm>> -> memref<8x512xf32, #tpu.memory_space<hbm>>
      %dma_start3A_307 = tpu.memref_slice %arg12[%rem3A_280] : memref<4x!tpu.dma_semaphore, #tpu.memory_space<semaphore_mem>> -> memref<1x!tpu.dma_semaphore, #tpu.memory_space<semaphore_mem>>
      %dma_start3A_308 = tpu.memref_squeeze %dma_start3A_307 : memref<1x!tpu.dma_semaphore, #tpu.memory_space<semaphore_mem>> -> memref<!tpu.dma_semaphore, #tpu.memory_space<semaphore_mem>>
      %dma_start3A_309 = tpu.memref_slice %arg4[%mul3A_301, %mul3A_2] : memref<200x16384xf32, #tpu.memory_space<hbm>> -> memref<8x512xf32, #tpu.memory_space<hbm>>
      %dma_start3A_310 = arith.constant 0 : i32
      %dma_start3A_311 = arith.constant 0 : i32
      %dma_start3A_312 = tpu.memref_slice %arg9[%rem3A_280, %dma_start3A_310, %dma_start3A_311] : memref<4x8x512xf32, #tpu.memory_space<vmem>> -> memref<1x8x512xf32, #tpu.memory_space<vmem>>
      %dma_start3A_313 = tpu.memref_squeeze %dma_start3A_312 : memref<1x8x512xf32, #tpu.memory_space<vmem>> -> memref<8x512xf32, #tpu.memory_space<vmem>>
      tpu.enqueue_dma source(%dma_start3A_313 : memref<8x512xf32, #tpu.memory_space<vmem>>) target(%dma_start3A_309 : memref<8x512xf32, #tpu.memory_space<hbm>>) target_semaphore(%dma_start3A_308 : memref<!tpu.dma_semaphore, #tpu.memory_space<semaphore_mem>>)
      %mul3A_314 = arith.constant 8 : i32
      %mul3A_315 = arith.muli %add3A_279, %mul3A_314 : i32
      %dma_start3A_316 = arith.constant 0 : i32
      %dma_start3A_317 = arith.constant 0 : i32
      %dma_start3A_318 = tpu.memref_slice %arg10[%rem3A_280, %dma_start3A_316, %dma_start3A_317] : memref<4x8x512xf32, #tpu.memory_space<vmem>> -> memref<1x8x512xf32, #tpu.memory_space<vmem>>
      %dma_start3A_319 = tpu.memref_squeeze %dma_start3A_318 : memref<1x8x512xf32, #tpu.memory_space<vmem>> -> memref<8x512xf32, #tpu.memory_space<vmem>>
      %dma_start3A_320 = tpu.memref_slice %arg5[%mul3A_315, %mul3A_2] : memref<200x16384xf32, #tpu.memory_space<hbm>> -> memref<8x512xf32, #tpu.memory_space<hbm>>
      %dma_start3A_321 = tpu.memref_slice %arg13[%rem3A_280] : memref<4x!tpu.dma_semaphore, #tpu.memory_space<semaphore_mem>> -> memref<1x!tpu.dma_semaphore, #tpu.memory_space<semaphore_mem>>
      %dma_start3A_322 = tpu.memref_squeeze %dma_start3A_321 : memref<1x!tpu.dma_semaphore, #tpu.memory_space<semaphore_mem>> -> memref<!tpu.dma_semaphore, #tpu.memory_space<semaphore_mem>>
      %dma_start3A_323 = tpu.memref_slice %arg5[%mul3A_315, %mul3A_2] : memref<200x16384xf32, #tpu.memory_space<hbm>> -> memref<8x512xf32, #tpu.memory_space<hbm>>
      %dma_start3A_324 = arith.constant 0 : i32
      %dma_start3A_325 = arith.constant 0 : i32
      %dma_start3A_326 = tpu.memref_slice %arg10[%rem3A_280, %dma_start3A_324, %dma_start3A_325] : memref<4x8x512xf32, #tpu.memory_space<vmem>> -> memref<1x8x512xf32, #tpu.memory_space<vmem>>
      %dma_start3A_327 = tpu.memref_squeeze %dma_start3A_326 : memref<1x8x512xf32, #tpu.memory_space<vmem>> -> memref<8x512xf32, #tpu.memory_space<vmem>>
      tpu.enqueue_dma source(%dma_start3A_327 : memref<8x512xf32, #tpu.memory_space<vmem>>) target(%dma_start3A_323 : memref<8x512xf32, #tpu.memory_space<hbm>>) target_semaphore(%dma_start3A_322 : memref<!tpu.dma_semaphore, #tpu.memory_space<semaphore_mem>>)
      %add3A_328 = arith.constant 4 : i32
      %add3A_329 = arith.addi %add3A_279, %add3A_328 : i32
      %lt3A = arith.constant 25 : i32
      %lt3A_330 = arith.cmpi slt, %add3A_329, %lt3A : i32
      %convert_element_type3A_331 = arith.extui %lt3A_330 : i1 to i32
      %cond3A_332 = arith.constant 0 : i32
      %cond3A_333 = arith.cmpi ne, %convert_element_type3A_331, %cond3A_332 : i32
      scf.if %cond3A_333 {
        %add3A_334 = arith.constant 4 : i32
        %add3A_335 = arith.addi %add3A_279, %add3A_334 : i32
        %mul3A_336 = arith.constant 8 : i32
        %mul3A_337 = arith.muli %add3A_335, %mul3A_336 : i32
        %dma_start3A_338 = arith.constant 0 : i32
        %dma_start3A_339 = arith.constant 0 : i32
        %dma_start3A_340 = tpu.memref_slice %arg8[%rem3A_280, %dma_start3A_338, %dma_start3A_339] : memref<4x8x512xf32, #tpu.memory_space<vmem>> -> memref<1x8x512xf32, #tpu.memory_space<vmem>>
        %dma_start3A_341 = tpu.memref_squeeze %dma_start3A_340 : memref<1x8x512xf32, #tpu.memory_space<vmem>> -> memref<8x512xf32, #tpu.memory_space<vmem>>
        %dma_start3A_342 = tpu.memref_slice %arg2[%mul3A_337, %mul3A_2] : memref<200x16384xf32, #tpu.memory_space<hbm>> -> memref<8x512xf32, #tpu.memory_space<hbm>>
        %dma_start3A_343 = tpu.memref_slice %arg11[%rem3A_280] : memref<4x!tpu.dma_semaphore, #tpu.memory_space<semaphore_mem>> -> memref<1x!tpu.dma_semaphore, #tpu.memory_space<semaphore_mem>>
        %dma_start3A_344 = tpu.memref_squeeze %dma_start3A_343 : memref<1x!tpu.dma_semaphore, #tpu.memory_space<semaphore_mem>> -> memref<!tpu.dma_semaphore, #tpu.memory_space<semaphore_mem>>
        %dma_start3A_345 = arith.constant 0 : i32
        %dma_start3A_346 = arith.constant 0 : i32
        %dma_start3A_347 = tpu.memref_slice %arg8[%rem3A_280, %dma_start3A_345, %dma_start3A_346] : memref<4x8x512xf32, #tpu.memory_space<vmem>> -> memref<1x8x512xf32, #tpu.memory_space<vmem>>
        %dma_start3A_348 = tpu.memref_squeeze %dma_start3A_347 : memref<1x8x512xf32, #tpu.memory_space<vmem>> -> memref<8x512xf32, #tpu.memory_space<vmem>>
        %dma_start3A_349 = tpu.memref_slice %arg2[%mul3A_337, %mul3A_2] : memref<200x16384xf32, #tpu.memory_space<hbm>> -> memref<8x512xf32, #tpu.memory_space<hbm>>
        tpu.enqueue_dma source(%dma_start3A_349 : memref<8x512xf32, #tpu.memory_space<hbm>>) target(%dma_start3A_348 : memref<8x512xf32, #tpu.memory_space<vmem>>) target_semaphore(%dma_start3A_344 : memref<!tpu.dma_semaphore, #tpu.memory_space<semaphore_mem>>)
      } else {
      }
    }
    %scan3A_147 = arith.constant 25 : i32
    %dma_wait3A = arith.constant 1 : i32
    %dma_wait3A_148 = arith.constant 1 : i32
    %dma_wait3A_149 = arith.constant 0 : i32
    %dma_wait3A_150 = arith.constant 0 : i32
    %dma_wait3A_151 = tpu.memref_slice %arg9[%dma_wait3A, %dma_wait3A_149, %dma_wait3A_150] : memref<4x8x512xf32, #tpu.memory_space<vmem>> -> memref<1x8x512xf32, #tpu.memory_space<vmem>>
    %dma_wait3A_152 = tpu.memref_squeeze %dma_wait3A_151 : memref<1x8x512xf32, #tpu.memory_space<vmem>> -> memref<8x512xf32, #tpu.memory_space<vmem>>
    %dma_wait3A_153 = arith.constant 168 : i32
    %dma_wait3A_154 = tpu.memref_slice %arg4[%dma_wait3A_153, %mul3A_2] : memref<200x16384xf32, #tpu.memory_space<hbm>> -> memref<8x512xf32, #tpu.memory_space<hbm>>
    %dma_wait3A_155 = tpu.memref_slice %arg12[%dma_wait3A_148] : memref<4x!tpu.dma_semaphore, #tpu.memory_space<semaphore_mem>> -> memref<1x!tpu.dma_semaphore, #tpu.memory_space<semaphore_mem>>
    %dma_wait3A_156 = tpu.memref_squeeze %dma_wait3A_155 : memref<1x!tpu.dma_semaphore, #tpu.memory_space<semaphore_mem>> -> memref<!tpu.dma_semaphore, #tpu.memory_space<semaphore_mem>>
    %dma_wait3A_157 = arith.constant 168 : i32
    %dma_wait3A_158 = tpu.memref_slice %arg4[%dma_wait3A_157, %mul3A_2] : memref<200x16384xf32, #tpu.memory_space<hbm>> -> memref<8x512xf32, #tpu.memory_space<hbm>>
    %dma_wait3A_159 = arith.constant 0 : i32
    %dma_wait3A_160 = arith.constant 0 : i32
    %dma_wait3A_161 = tpu.memref_slice %arg9[%dma_wait3A, %dma_wait3A_159, %dma_wait3A_160] : memref<4x8x512xf32, #tpu.memory_space<vmem>> -> memref<1x8x512xf32, #tpu.memory_space<vmem>>
    %dma_wait3A_162 = tpu.memref_squeeze %dma_wait3A_161 : memref<1x8x512xf32, #tpu.memory_space<vmem>> -> memref<8x512xf32, #tpu.memory_space<vmem>>
    tpu.wait_dma2 semaphore(%dma_wait3A_156 : memref<!tpu.dma_semaphore, #tpu.memory_space<semaphore_mem>>) src(%dma_wait3A_162 : memref<8x512xf32, #tpu.memory_space<vmem>>) dst(%dma_wait3A_158 : memref<8x512xf32, #tpu.memory_space<hbm>>)
    %dma_wait3A_163 = arith.constant 1 : i32
    %dma_wait3A_164 = arith.constant 1 : i32
    %dma_wait3A_165 = arith.constant 0 : i32
    %dma_wait3A_166 = arith.constant 0 : i32
    %dma_wait3A_167 = tpu.memref_slice %arg10[%dma_wait3A_163, %dma_wait3A_165, %dma_wait3A_166] : memref<4x8x512xf32, #tpu.memory_space<vmem>> -> memref<1x8x512xf32, #tpu.memory_space<vmem>>
    %dma_wait3A_168 = tpu.memref_squeeze %dma_wait3A_167 : memref<1x8x512xf32, #tpu.memory_space<vmem>> -> memref<8x512xf32, #tpu.memory_space<vmem>>
    %dma_wait3A_169 = arith.constant 168 : i32
    %dma_wait3A_170 = tpu.memref_slice %arg5[%dma_wait3A_169, %mul3A_2] : memref<200x16384xf32, #tpu.memory_space<hbm>> -> memref<8x512xf32, #tpu.memory_space<hbm>>
    %dma_wait3A_171 = tpu.memref_slice %arg13[%dma_wait3A_164] : memref<4x!tpu.dma_semaphore, #tpu.memory_space<semaphore_mem>> -> memref<1x!tpu.dma_semaphore, #tpu.memory_space<semaphore_mem>>
    %dma_wait3A_172 = tpu.memref_squeeze %dma_wait3A_171 : memref<1x!tpu.dma_semaphore, #tpu.memory_space<semaphore_mem>> -> memref<!tpu.dma_semaphore, #tpu.memory_space<semaphore_mem>>
    %dma_wait3A_173 = arith.constant 168 : i32
    %dma_wait3A_174 = tpu.memref_slice %arg5[%dma_wait3A_173, %mul3A_2] : memref<200x16384xf32, #tpu.memory_space<hbm>> -> memref<8x512xf32, #tpu.memory_space<hbm>>
    %dma_wait3A_175 = arith.constant 0 : i32
    %dma_wait3A_176 = arith.constant 0 : i32
    %dma_wait3A_177 = tpu.memref_slice %arg10[%dma_wait3A_163, %dma_wait3A_175, %dma_wait3A_176] : memref<4x8x512xf32, #tpu.memory_space<vmem>> -> memref<1x8x512xf32, #tpu.memory_space<vmem>>
    %dma_wait3A_178 = tpu.memref_squeeze %dma_wait3A_177 : memref<1x8x512xf32, #tpu.memory_space<vmem>> -> memref<8x512xf32, #tpu.memory_space<vmem>>
    tpu.wait_dma2 semaphore(%dma_wait3A_172 : memref<!tpu.dma_semaphore, #tpu.memory_space<semaphore_mem>>) src(%dma_wait3A_178 : memref<8x512xf32, #tpu.memory_space<vmem>>) dst(%dma_wait3A_174 : memref<8x512xf32, #tpu.memory_space<hbm>>)
    %dma_wait3A_179 = arith.constant 2 : i32
    %dma_wait3A_180 = arith.constant 2 : i32
    %dma_wait3A_181 = arith.constant 0 : i32
    %dma_wait3A_182 = arith.constant 0 : i32
    %dma_wait3A_183 = tpu.memref_slice %arg9[%dma_wait3A_179, %dma_wait3A_181, %dma_wait3A_182] : memref<4x8x512xf32, #tpu.memory_space<vmem>> -> memref<1x8x512xf32, #tpu.memory_space<vmem>>
    %dma_wait3A_184 = tpu.memref_squeeze %dma_wait3A_183 : memref<1x8x512xf32, #tpu.memory_space<vmem>> -> memref<8x512xf32, #tpu.memory_space<vmem>>
    %dma_wait3A_185 = arith.constant 176 : i32
    %dma_wait3A_186 = tpu.memref_slice %arg4[%dma_wait3A_185, %mul3A_2] : memref<200x16384xf32, #tpu.memory_space<hbm>> -> memref<8x512xf32, #tpu.memory_space<hbm>>
    %dma_wait3A_187 = tpu.memref_slice %arg12[%dma_wait3A_180] : memref<4x!tpu.dma_semaphore, #tpu.memory_space<semaphore_mem>> -> memref<1x!tpu.dma_semaphore, #tpu.memory_space<semaphore_mem>>
    %dma_wait3A_188 = tpu.memref_squeeze %dma_wait3A_187 : memref<1x!tpu.dma_semaphore, #tpu.memory_space<semaphore_mem>> -> memref<!tpu.dma_semaphore, #tpu.memory_space<semaphore_mem>>
    %dma_wait3A_189 = arith.constant 176 : i32
    %dma_wait3A_190 = tpu.memref_slice %arg4[%dma_wait3A_189, %mul3A_2] : memref<200x16384xf32, #tpu.memory_space<hbm>> -> memref<8x512xf32, #tpu.memory_space<hbm>>
    %dma_wait3A_191 = arith.constant 0 : i32
    %dma_wait3A_192 = arith.constant 0 : i32
    %dma_wait3A_193 = tpu.memref_slice %arg9[%dma_wait3A_179, %dma_wait3A_191, %dma_wait3A_192] : memref<4x8x512xf32, #tpu.memory_space<vmem>> -> memref<1x8x512xf32, #tpu.memory_space<vmem>>
    %dma_wait3A_194 = tpu.memref_squeeze %dma_wait3A_193 : memref<1x8x512xf32, #tpu.memory_space<vmem>> -> memref<8x512xf32, #tpu.memory_space<vmem>>
    tpu.wait_dma2 semaphore(%dma_wait3A_188 : memref<!tpu.dma_semaphore, #tpu.memory_space<semaphore_mem>>) src(%dma_wait3A_194 : memref<8x512xf32, #tpu.memory_space<vmem>>) dst(%dma_wait3A_190 : memref<8x512xf32, #tpu.memory_space<hbm>>)
    %dma_wait3A_195 = arith.constant 2 : i32
    %dma_wait3A_196 = arith.constant 2 : i32
    %dma_wait3A_197 = arith.constant 0 : i32
    %dma_wait3A_198 = arith.constant 0 : i32
    %dma_wait3A_199 = tpu.memref_slice %arg10[%dma_wait3A_195, %dma_wait3A_197, %dma_wait3A_198] : memref<4x8x512xf32, #tpu.memory_space<vmem>> -> memref<1x8x512xf32, #tpu.memory_space<vmem>>
    %dma_wait3A_200 = tpu.memref_squeeze %dma_wait3A_199 : memref<1x8x512xf32, #tpu.memory_space<vmem>> -> memref<8x512xf32, #tpu.memory_space<vmem>>
    %dma_wait3A_201 = arith.constant 176 : i32
    %dma_wait3A_202 = tpu.memref_slice %arg5[%dma_wait3A_201, %mul3A_2] : memref<200x16384xf32, #tpu.memory_space<hbm>> -> memref<8x512xf32, #tpu.memory_space<hbm>>
    %dma_wait3A_203 = tpu.memref_slice %arg13[%dma_wait3A_196] : memref<4x!tpu.dma_semaphore, #tpu.memory_space<semaphore_mem>> -> memref<1x!tpu.dma_semaphore, #tpu.memory_space<semaphore_mem>>
    %dma_wait3A_204 = tpu.memref_squeeze %dma_wait3A_203 : memref<1x!tpu.dma_semaphore, #tpu.memory_space<semaphore_mem>> -> memref<!tpu.dma_semaphore, #tpu.memory_space<semaphore_mem>>
    %dma_wait3A_205 = arith.constant 176 : i32
    %dma_wait3A_206 = tpu.memref_slice %arg5[%dma_wait3A_205, %mul3A_2] : memref<200x16384xf32, #tpu.memory_space<hbm>> -> memref<8x512xf32, #tpu.memory_space<hbm>>
    %dma_wait3A_207 = arith.constant 0 : i32
    %dma_wait3A_208 = arith.constant 0 : i32
    %dma_wait3A_209 = tpu.memref_slice %arg10[%dma_wait3A_195, %dma_wait3A_207, %dma_wait3A_208] : memref<4x8x512xf32, #tpu.memory_space<vmem>> -> memref<1x8x512xf32, #tpu.memory_space<vmem>>
    %dma_wait3A_210 = tpu.memref_squeeze %dma_wait3A_209 : memref<1x8x512xf32, #tpu.memory_space<vmem>> -> memref<8x512xf32, #tpu.memory_space<vmem>>
    tpu.wait_dma2 semaphore(%dma_wait3A_204 : memref<!tpu.dma_semaphore, #tpu.memory_space<semaphore_mem>>) src(%dma_wait3A_210 : memref<8x512xf32, #tpu.memory_space<vmem>>) dst(%dma_wait3A_206 : memref<8x512xf32, #tpu.memory_space<hbm>>)
    %dma_wait3A_211 = arith.constant 3 : i32
    %dma_wait3A_212 = arith.constant 3 : i32
    %dma_wait3A_213 = arith.constant 0 : i32
    %dma_wait3A_214 = arith.constant 0 : i32
    %dma_wait3A_215 = tpu.memref_slice %arg9[%dma_wait3A_211, %dma_wait3A_213, %dma_wait3A_214] : memref<4x8x512xf32, #tpu.memory_space<vmem>> -> memref<1x8x512xf32, #tpu.memory_space<vmem>>
    %dma_wait3A_216 = tpu.memref_squeeze %dma_wait3A_215 : memref<1x8x512xf32, #tpu.memory_space<vmem>> -> memref<8x512xf32, #tpu.memory_space<vmem>>
    %dma_wait3A_217 = arith.constant 184 : i32
    %dma_wait3A_218 = tpu.memref_slice %arg4[%dma_wait3A_217, %mul3A_2] : memref<200x16384xf32, #tpu.memory_space<hbm>> -> memref<8x512xf32, #tpu.memory_space<hbm>>
    %dma_wait3A_219 = tpu.memref_slice %arg12[%dma_wait3A_212] : memref<4x!tpu.dma_semaphore, #tpu.memory_space<semaphore_mem>> -> memref<1x!tpu.dma_semaphore, #tpu.memory_space<semaphore_mem>>
    %dma_wait3A_220 = tpu.memref_squeeze %dma_wait3A_219 : memref<1x!tpu.dma_semaphore, #tpu.memory_space<semaphore_mem>> -> memref<!tpu.dma_semaphore, #tpu.memory_space<semaphore_mem>>
    %dma_wait3A_221 = arith.constant 184 : i32
    %dma_wait3A_222 = tpu.memref_slice %arg4[%dma_wait3A_221, %mul3A_2] : memref<200x16384xf32, #tpu.memory_space<hbm>> -> memref<8x512xf32, #tpu.memory_space<hbm>>
    %dma_wait3A_223 = arith.constant 0 : i32
    %dma_wait3A_224 = arith.constant 0 : i32
    %dma_wait3A_225 = tpu.memref_slice %arg9[%dma_wait3A_211, %dma_wait3A_223, %dma_wait3A_224] : memref<4x8x512xf32, #tpu.memory_space<vmem>> -> memref<1x8x512xf32, #tpu.memory_space<vmem>>
    %dma_wait3A_226 = tpu.memref_squeeze %dma_wait3A_225 : memref<1x8x512xf32, #tpu.memory_space<vmem>> -> memref<8x512xf32, #tpu.memory_space<vmem>>
    tpu.wait_dma2 semaphore(%dma_wait3A_220 : memref<!tpu.dma_semaphore, #tpu.memory_space<semaphore_mem>>) src(%dma_wait3A_226 : memref<8x512xf32, #tpu.memory_space<vmem>>) dst(%dma_wait3A_222 : memref<8x512xf32, #tpu.memory_space<hbm>>)
    %dma_wait3A_227 = arith.constant 3 : i32
    %dma_wait3A_228 = arith.constant 3 : i32
    %dma_wait3A_229 = arith.constant 0 : i32
    %dma_wait3A_230 = arith.constant 0 : i32
    %dma_wait3A_231 = tpu.memref_slice %arg10[%dma_wait3A_227, %dma_wait3A_229, %dma_wait3A_230] : memref<4x8x512xf32, #tpu.memory_space<vmem>> -> memref<1x8x512xf32, #tpu.memory_space<vmem>>
    %dma_wait3A_232 = tpu.memref_squeeze %dma_wait3A_231 : memref<1x8x512xf32, #tpu.memory_space<vmem>> -> memref<8x512xf32, #tpu.memory_space<vmem>>
    %dma_wait3A_233 = arith.constant 184 : i32
    %dma_wait3A_234 = tpu.memref_slice %arg5[%dma_wait3A_233, %mul3A_2] : memref<200x16384xf32, #tpu.memory_space<hbm>> -> memref<8x512xf32, #tpu.memory_space<hbm>>
    %dma_wait3A_235 = tpu.memref_slice %arg13[%dma_wait3A_228] : memref<4x!tpu.dma_semaphore, #tpu.memory_space<semaphore_mem>> -> memref<1x!tpu.dma_semaphore, #tpu.memory_space<semaphore_mem>>
    %dma_wait3A_236 = tpu.memref_squeeze %dma_wait3A_235 : memref<1x!tpu.dma_semaphore, #tpu.memory_space<semaphore_mem>> -> memref<!tpu.dma_semaphore, #tpu.memory_space<semaphore_mem>>
    %dma_wait3A_237 = arith.constant 184 : i32
    %dma_wait3A_238 = tpu.memref_slice %arg5[%dma_wait3A_237, %mul3A_2] : memref<200x16384xf32, #tpu.memory_space<hbm>> -> memref<8x512xf32, #tpu.memory_space<hbm>>
    %dma_wait3A_239 = arith.constant 0 : i32
    %dma_wait3A_240 = arith.constant 0 : i32
    %dma_wait3A_241 = tpu.memref_slice %arg10[%dma_wait3A_227, %dma_wait3A_239, %dma_wait3A_240] : memref<4x8x512xf32, #tpu.memory_space<vmem>> -> memref<1x8x512xf32, #tpu.memory_space<vmem>>
    %dma_wait3A_242 = tpu.memref_squeeze %dma_wait3A_241 : memref<1x8x512xf32, #tpu.memory_space<vmem>> -> memref<8x512xf32, #tpu.memory_space<vmem>>
    tpu.wait_dma2 semaphore(%dma_wait3A_236 : memref<!tpu.dma_semaphore, #tpu.memory_space<semaphore_mem>>) src(%dma_wait3A_242 : memref<8x512xf32, #tpu.memory_space<vmem>>) dst(%dma_wait3A_238 : memref<8x512xf32, #tpu.memory_space<hbm>>)
    %dma_wait3A_243 = arith.constant 0 : i32
    %dma_wait3A_244 = arith.constant 0 : i32
    %dma_wait3A_245 = arith.constant 0 : i32
    %dma_wait3A_246 = arith.constant 0 : i32
    %dma_wait3A_247 = tpu.memref_slice %arg9[%dma_wait3A_243, %dma_wait3A_245, %dma_wait3A_246] : memref<4x8x512xf32, #tpu.memory_space<vmem>> -> memref<1x8x512xf32, #tpu.memory_space<vmem>>
    %dma_wait3A_248 = tpu.memref_squeeze %dma_wait3A_247 : memref<1x8x512xf32, #tpu.memory_space<vmem>> -> memref<8x512xf32, #tpu.memory_space<vmem>>
    %dma_wait3A_249 = arith.constant 192 : i32
    %dma_wait3A_250 = tpu.memref_slice %arg4[%dma_wait3A_249, %mul3A_2] : memref<200x16384xf32, #tpu.memory_space<hbm>> -> memref<8x512xf32, #tpu.memory_space<hbm>>
    %dma_wait3A_251 = tpu.memref_slice %arg12[%dma_wait3A_244] : memref<4x!tpu.dma_semaphore, #tpu.memory_space<semaphore_mem>> -> memref<1x!tpu.dma_semaphore, #tpu.memory_space<semaphore_mem>>
    %dma_wait3A_252 = tpu.memref_squeeze %dma_wait3A_251 : memref<1x!tpu.dma_semaphore, #tpu.memory_space<semaphore_mem>> -> memref<!tpu.dma_semaphore, #tpu.memory_space<semaphore_mem>>
    %dma_wait3A_253 = arith.constant 192 : i32
    %dma_wait3A_254 = tpu.memref_slice %arg4[%dma_wait3A_253, %mul3A_2] : memref<200x16384xf32, #tpu.memory_space<hbm>> -> memref<8x512xf32, #tpu.memory_space<hbm>>
    %dma_wait3A_255 = arith.constant 0 : i32
    %dma_wait3A_256 = arith.constant 0 : i32
    %dma_wait3A_257 = tpu.memref_slice %arg9[%dma_wait3A_243, %dma_wait3A_255, %dma_wait3A_256] : memref<4x8x512xf32, #tpu.memory_space<vmem>> -> memref<1x8x512xf32, #tpu.memory_space<vmem>>
    %dma_wait3A_258 = tpu.memref_squeeze %dma_wait3A_257 : memref<1x8x512xf32, #tpu.memory_space<vmem>> -> memref<8x512xf32, #tpu.memory_space<vmem>>
    tpu.wait_dma2 semaphore(%dma_wait3A_252 : memref<!tpu.dma_semaphore, #tpu.memory_space<semaphore_mem>>) src(%dma_wait3A_258 : memref<8x512xf32, #tpu.memory_space<vmem>>) dst(%dma_wait3A_254 : memref<8x512xf32, #tpu.memory_space<hbm>>)
    %dma_wait3A_259 = arith.constant 0 : i32
    %dma_wait3A_260 = arith.constant 0 : i32
    %dma_wait3A_261 = arith.constant 0 : i32
    %dma_wait3A_262 = arith.constant 0 : i32
    %dma_wait3A_263 = tpu.memref_slice %arg10[%dma_wait3A_259, %dma_wait3A_261, %dma_wait3A_262] : memref<4x8x512xf32, #tpu.memory_space<vmem>> -> memref<1x8x512xf32, #tpu.memory_space<vmem>>
    %dma_wait3A_264 = tpu.memref_squeeze %dma_wait3A_263 : memref<1x8x512xf32, #tpu.memory_space<vmem>> -> memref<8x512xf32, #tpu.memory_space<vmem>>
    %dma_wait3A_265 = arith.constant 192 : i32
    %dma_wait3A_266 = tpu.memref_slice %arg5[%dma_wait3A_265, %mul3A_2] : memref<200x16384xf32, #tpu.memory_space<hbm>> -> memref<8x512xf32, #tpu.memory_space<hbm>>
    %dma_wait3A_267 = tpu.memref_slice %arg13[%dma_wait3A_260] : memref<4x!tpu.dma_semaphore, #tpu.memory_space<semaphore_mem>> -> memref<1x!tpu.dma_semaphore, #tpu.memory_space<semaphore_mem>>
    %dma_wait3A_268 = tpu.memref_squeeze %dma_wait3A_267 : memref<1x!tpu.dma_semaphore, #tpu.memory_space<semaphore_mem>> -> memref<!tpu.dma_semaphore, #tpu.memory_space<semaphore_mem>>
    %dma_wait3A_269 = arith.constant 192 : i32
    %dma_wait3A_270 = tpu.memref_slice %arg5[%dma_wait3A_269, %mul3A_2] : memref<200x16384xf32, #tpu.memory_space<hbm>> -> memref<8x512xf32, #tpu.memory_space<hbm>>
    %dma_wait3A_271 = arith.constant 0 : i32
    %dma_wait3A_272 = arith.constant 0 : i32
    %dma_wait3A_273 = tpu.memref_slice %arg10[%dma_wait3A_259, %dma_wait3A_271, %dma_wait3A_272] : memref<4x8x512xf32, #tpu.memory_space<vmem>> -> memref<1x8x512xf32, #tpu.memory_space<vmem>>
    %dma_wait3A_274 = tpu.memref_squeeze %dma_wait3A_273 : memref<1x8x512xf32, #tpu.memory_space<vmem>> -> memref<8x512xf32, #tpu.memory_space<vmem>>
    tpu.wait_dma2 semaphore(%dma_wait3A_268 : memref<!tpu.dma_semaphore, #tpu.memory_space<semaphore_mem>>) src(%dma_wait3A_274 : memref<8x512xf32, #tpu.memory_space<vmem>>) dst(%dma_wait3A_270 : memref<8x512xf32, #tpu.memory_space<hbm>>)
    return
  }
}

</mosaic_0001>

<sc_bundles>
// kernel: kernel.3.cloned.1.call-start
scs
__scs_entry_jumppad:
0x0: {  	(pc) =	sbr.rel $0x88, $3  }
0x1: {  	(tag) =	ssettag $0x0;
	lr =	simm.s32 $0x1  }
0x2: {  	[smem:$0x3F9F] =	sst lr;
	_ =	strace $0xD0000000  }
0x3: {  	_ = 	snop  }
0x4: {  	_ = 	snop  }
0x5: {  	_ = 	snop  }
0x6: {  	_ = 	snop  }
0x7: {  	_ = 	snop  }
__scs_overlays_trampoline_lowered:
0x8: {  	[smem:$0x3FAE] =	sst s0  }
0x9: {  	[smem:$0x3FAF] =	sst s1  }
0xa: {  	[smem:$0x3FB0] =	sst s2  }
0xb: {  	[smem:$0x3FB1] =	sst s3  }
0xc: {  	[smem:$0x3FB2] =	sst s4  }
0xd: {  	[smem:$0x3FB3] =	sst s5  }
0xe: {  	[smem:$0x3FB4] =	sst s6  }
0xf: {  	[smem:$0x3FB5] =	sst s7  }
0x10: {  	[smem:$0x3FB6] =	sst s8  }
0x11: {  	[smem:$0x3FB7] =	sst s9;
	s0 =	simm.s32 @!p0 $0x0  }
0x12: {  	s1 =	sld [smem:$0x3F9D];
	s0 =	simm.s32 @p0 $0x1  }
0x13: {  	[smem:$0x3FB8] =	sst s0;
	s0 =	simm.s32 @!p1 $0x0  }
0x14: {  	s2 =	sld [smem:$0x3F9C];
	s0 =	simm.s32 @p1 $0x1  }
0x15: {  	[smem:$0x3FB9] =	sst s0;
	s0 =	simm.s32 @!p2 $0x0  }
0x16: {  	s3 =	sld [smem:$0x3FDB];
	s0 =	simm.s32 @p2 $0x1  }
0x17: {  	s4 =	simm.s32 $0x1BF5;
	[smem:$0x3FBB] =	sst s0  }
0x18: {  	s0 =	sld [smem:$0x3F9E];
	_ =	swait.ge [sflag:s4], $0x0  }
0x19: {  	s7 =	sld [smem:$0x3F9F]  }
0x1a: {  	s8 =	sadd.s32 $0xFFFFE003, lr  }
0x1b: {  	s9 =	sadd.s32 $0xFFFFFEF7, lr;
	s5 =	simm.s32 $0xFFFFFFFF;
	p2 =	slt.u32 s8, $0xFFFFF086  }
0x1c: {  	p1 =	slt.u32 s9, $0xF7A;
	s5 =	simm.s32 @!p2 $0x0  }
0x1d: {  	s5 =	simm.s32 @p1 $0x1;
	p0 =	seq.s32 s7, s2  }
0x1e: {  	s7 =	smul.u32 @!p0 $0xF7A, s2;
	p2 =	seq.s32 @!p0 s5, $0x0  }
0x1f: {  	s9 =	smul.u32 $0xF7A, s1;
	s8 =	simm.s32 @!p0 $0x1BF5;
	p2 =	por !p2, p0  }
0x20: {  	[sflag:s8] =	ssyncset.s32 @!p0 $0xFFFFF086;
	s6 =	sadd.s32 @!p0 s3, s7;
	s7 =	simm.s32 @!p0 $0x108  }
0x21: {  	s3 =	sadd.s32 s3, s9;
	s6 =	sadd.s32 @!p0 $0x88, s6;
	s7 =	simm.s32 @p2 $0x1082  }
0x22: {  	[simem:s7], [sflag:s8] =	dma.local @!p0 [hbm:s6], $0xF7A  }
0x23: {  	s9 =	sor.u32 $0xD0000000, s2;
	s6 =	simm.s32 $0x108;
	_ =	swait.ge @!p0 [sflag:s8], $0x0  }
0x24: {  	s3 =	sadd.s32 $0x88, s3;
	s6 =	simm.s32 @!p1 $0x1082;
	[sflag:s4] =	ssyncset.s32 $0xFFFFF086  }
0x25: {  	[simem:s6], [sflag:s4] =	dma.local [hbm:s3], $0xF7A  }
0x26: {  	[smem:$0x3F9F] =	sst s1;
	(tag) =	ssettag s2;
	_ =	strace s9  }
0x27: {  	s1 =	sld [smem:$0x3FAF]  }
0x28: {  	s2 =	sld [smem:$0x3FB0]  }
0x29: {  	s4 =	sld [smem:$0x3FB2]  }
0x2a: {  	p0 =	seq.s32 s5, $0x0;
	s5 =	sld [smem:$0x3FB3]  }
0x2b: {  	s6 =	sld [smem:$0x3FB4]  }
0x2c: {  	s7 =	sld [smem:$0x3FB5]  }
0x2d: {  	s3 =	simm.s32 $0x108;
	s8 =	sld [smem:$0x3FB6]  }
0x2e: {  	s3 =	simm.s32 @!p0 $0x1082;
	s9 =	sld [smem:$0x3FB7]  }
0x2f: {  	lr =	sadd.s32 s0, s3;
	s0 =	sld [smem:$0x3FAE]  }
0x30: {  	s3 =	sld [smem:$0x3FB1]  }
0x31: {  	[smem:$0x3FBA] =	sst s10  }
0x32: {  	s10 =	sld [smem:$0x3FB8];
	_ =	sdelay $0x3  }
0x33: {  	p0 =	seq.s32 s10, $0x1;
	s10 =	sld [smem:$0x3FBA];
	_ =	sdelay $0x3  }
0x34: {  	[smem:$0x3FBA] =	sst s10  }
0x35: {  	s10 =	sld [smem:$0x3FB9];
	_ =	sdelay $0x3  }
0x36: {  	p1 =	seq.s32 s10, $0x1;
	s10 =	sld [smem:$0x3FBA];
	_ =	sdelay $0x3  }
0x37: {  	[smem:$0x3FBA] =	sst s10  }
0x38: {  	s10 =	sld [smem:$0x3FBB]  }
0x39: {  	_ = 	snop;
	(pc) =	sbr.ind lr, $3  }
0x3a: {  	_ = 	snop  }
0x3b: {  	_ = 	snop  }
0x3c: {  	p2 =	seq.s32 s10, $0x1;
	s10 =	sld [smem:$0x3FBA]  }
0x3d: {  	_ =	shalt  }
0x3e: {  	_ =	shalt  }
0x3f: {  	_ =	shalt  }
0x40: {  	_ =	shalt  }
0x41: {  	_ =	shalt  }
0x42: {  	_ =	shalt  }
0x43: {  	_ =	shalt  }
0x44: {  	_ =	shalt  }
0x45: {  	_ =	shalt  }
0x46: {  	_ =	shalt  }
0x47: {  	_ =	shalt  }
0x48: {  	_ =	shalt  }
0x49: {  	_ =	shalt  }
0x4a: {  	_ =	shalt  }
0x4b: {  	_ =	shalt  }
0x4c: {  	_ =	shalt  }
0x4d: {  	_ =	shalt  }
0x4e: {  	_ =	shalt  }
0x4f: {  	_ =	shalt  }
0x50: {  	_ =	shalt  }
0x51: {  	_ =	shalt  }
0x52: {  	_ =	shalt  }
0x53: {  	_ =	shalt  }
0x54: {  	_ =	shalt  }
0x55: {  	_ =	shalt  }
0x56: {  	_ =	shalt  }
0x57: {  	_ =	shalt  }
0x58: {  	_ =	shalt  }
0x59: {  	_ =	shalt  }
0x5a: {  	_ =	shalt  }
0x5b: {  	_ =	shalt  }
0x5c: {  	_ =	shalt  }
0x5d: {  	_ =	shalt  }
0x5e: {  	_ =	shalt  }
0x5f: {  	_ =	shalt  }
0x60: {  	_ =	shalt  }
0x61: {  	_ =	shalt  }
0x62: {  	_ =	shalt  }
0x63: {  	_ =	shalt  }
0x64: {  	_ =	shalt  }
0x65: {  	_ =	shalt  }
0x66: {  	_ =	shalt  }
0x67: {  	_ =	shalt  }
0x68: {  	_ =	shalt  }
0x69: {  	_ =	shalt  }
0x6a: {  	_ =	shalt  }
0x6b: {  	_ =	shalt  }
0x6c: {  	_ =	shalt  }
0x6d: {  	_ =	shalt  }
0x6e: {  	_ =	shalt  }
0x6f: {  	_ =	shalt  }
0x70: {  	_ =	shalt  }
0x71: {  	_ =	shalt  }
0x72: {  	_ =	shalt  }
0x73: {  	_ =	shalt  }
0x74: {  	_ =	shalt  }
0x75: {  	_ =	shalt  }
0x76: {  	_ =	shalt  }
0x77: {  	_ =	shalt  }
0x78: {  	_ =	shalt  }
0x79: {  	_ =	shalt  }
0x7a: {  	_ =	shalt  }
0x7b: {  	_ =	shalt  }
0x7c: {  	_ =	shalt  }
0x7d: {  	_ =	shalt  }
0x7e: {  	_ =	shalt  }
0x7f: {  	_ =	shalt  }
0x80: {  	_ =	shalt  }
0x81: {  	_ =	shalt  }
0x82: {  	_ =	shalt  }
0x83: {  	_ =	shalt  }
0x84: {  	_ =	shalt  }
0x85: {  	_ =	shalt  }
0x86: {  	_ =	shalt  }
0x87: {  	_ =	shalt  }
.Lfunc_end0:
.L_simem_size_0:
called_computation_lowered:
.L_overlay_start_0:
0x88: {  	s2 =	sld [smem:$0x3FD9]  }
0x89: {  	s3 =	sld [smem:$0x3FFE];
	_ =	sdelay $0x1  }
0x8a: {  	s1 =	srdreg.scid  }
0x8b: {  	s0 =	sand.u32 $0x1, s1  }
0x8c: {  	s15 =	sshll.u32 s0, $0xA;
	s2 =	sadd.s32 s3, s2  }
0x8d: {  	s2 =	sadd.s32 s2, s15  }
0x8e: {  	[smem:$0x3FC6] =	sst s2  }
0x8f: {  	_ = 	snop  }
0x90: {  	s2 =	sld [smem:$0x3FD0];
	_ =	sdelay $0x1  }
0x91: {  	s16 =	sld [smem:$0x3FC9]  }
0x92: {  	s5 =	simm.s32 $0xA;
	s6 =	simm.s32 $0x10;
	s4 =	sld [smem:$0x3FC8]  }
0x93: {  	[smem:s6], [sflag:s5] =	dma.local [hbm:s2], $0x1  }
0x94: {  	_ =	swait.eq [sflag:s5], $0x1  }
0x95: {  	[sflag:s5] =	ssyncset.done $0x0  }
0x96: {  	s17 =	sld [smem:$0x10];
	[sflag:s5] =	ssyncadd.s32 $0xFFFFFFFF  }
0x97: {  	s18 =	sld [smem:$0x11];
	(tm) =	ssettm $0x1  }
0x98: {  	s19 =	sld [smem:$0x3FFB];
	_ =	sdelay $0x3  }
0x99: {  	_ =	strace s19  }
0x9a: {  	s6 =	sld [smem:$0x3FFC];
	_ =	sdelay $0x3  }
0x9b: {  	_ =	strace s6  }
0x9c: {  	s6 =	sld [smem:$0x3FFD];
	_ =	sdelay $0x3  }
0x9d: {  	_ =	strace s6  }
0x9e: {  	_ =	strace $0x8FFFFFFF  }
0x9f: {  	s20 =	sld [smem:$0x3FDB];
	_ =	sdelay $0x1  }
0xa0: {  	s7 =	simm.s32 $_scs_section_size  }
0xa1: {  	s8 =	simm.s32 $_size__tile_overlayer_lowered;
	s9 =	simm.s32 $_tile_overlayer_lowered  }
0xa2: {  	s23 =	simm.s32 $0x1BFF;
	s22 =	sshll.u32 s9, $0x1;
	s6 =	sadd.s32 s7, s20  }
0xa3: {  	s10 =	simm.s32 $0x0;
	s21 =	sshll.u32 s8, $0x1;
	s8 =	sadd.s32 s22, s6  }
0xa4: {  	[timem:s10], [sflag:s23] =	dma.local [hbm:s8], s21  }
0xa5: {  	_ =	swait.ge [sflag:s23], s21  }
0xa6: {  	s7 =	ssub.s32 $0x0, s21;
	[sflag:s23] =	ssyncset.done $0x0  }
0xa7: {  	[sflag:s23] =	ssyncadd.s32 s7;
	_ =	sdelay $0x1  }
0xa8: {  	s24 =	simm.s32 $0x1B8B  }
0xa9: {  	_ =	swait.ge [sflag:s24], $0x1  }
0xaa: {  	[sflag:s24] =	ssyncset.done $0x0  }
0xab: {  	s25 =	simm.s32 $0x1B8E;
	[sflag:s24] =	ssyncadd.s32 $0xFFFFFFFF  }
0xac: {  	s26 =	simm.s32 $execute0_lowered;
	[smem:$0x3FD2] =	sst s25  }
0xad: {  	s7 =	sshll.u32 s26, $0x1;
	_ =	strace $0x80000046;
	[dreg:$0x1] =	wrdreg $0xFFFFFFFF  }
0xae: {  	s28 =	simm.s32 $_size_execute0_lowered;
	s6 =	sadd.s32 s6, s7;
	[dreg:$0x0] =	wrdreg $0x0  }
0xaf: {  	s7 =	sshll.u32 s28, $0x1;
	[dreg:$0x2] =	wrdreg s6  }
0xb0: {  	[dreg:$0x3] =	wrdreg s7  }
0xb1: {  	[dreg:$0x4] =	wrdreg $0xC0  }
0xb2: {  	_ =	task [dreg:s10], $0x5FFFF  }
0xb3: {  	[dreg:$0x1] =	wrdreg $0xFFFFFFFF  }
0xb4: {  	[dreg:$0x0] =	wrdreg $0x60  }
0xb5: {  	[dreg:$0x2] =	wrdreg s16  }
0xb6: {  	[dreg:$0x3] =	wrdreg s4  }
0xb7: {  	[dreg:$0x4] =	wrdreg s17  }
0xb8: {  	[dreg:$0x5] =	wrdreg s18  }
0xb9: {  	[dreg:$0x6] =	wrdreg $0x9  }
0xba: {  	_ =	task.clear_ibuf [dreg:s10], $0x7FFFF;
	_ =	strace $0x90000046  }
0xbb: {  	s29 =	simm.s32 $0x9;
	_ =	strace $0x80000048  }
0xbc: {  	_ =	swait.ge [sflag:s29], $0x1  }
0xbd: {  	[sflag:s29] =	ssyncadd.s32 $0xFFFFFFFF  }
0xbe: {  	_ =	strace $0x90000048  }
0xbf: {  	_ =	sfence  }
0xc0: {  	s30 =	sld [smem:$0x0];
	_ =	sdelay $0x2  }
0xc1: {  	s31 =	sshll.u32 s1, $0xD;
	s1 =	sshrl.u32 s1, $0x2  }
0xc2: {  	s3 =	sand.u32 $0x4000, s31;
	s1 =	sadd.s32 s1, s30  }
0xc3: {  	s0 =	sor.u32 s3, s0;
	s1 =	sshll.u32 s1, $0x11  }
0xc4: {  	s0 =	sor.u32 s1, s0  }
0xc5: {  	s0 =	sadd.s32 $0x8F2B, s0  }
0xc6: {  	[sflag:s0] =	ssyncadd.remote.s32 $0x1  }
0xc7: {  	_ =	sfence.sel $0xFFFF  }
0xc8: {  	[dreg:$0x0] =	wrdreg $0xFFFFFFFF;
	(pc) =	sbr.abs _section_cstart, $3  }
0xc9: {  	[dreg:$0x1] =	wrdreg $0xFFFFFFFF  }
0xca: {  	_ =	task.clear_ibuf [dreg:s10], $0x2FFFF;
	_ =	strace $0x9FFFFFFF  }
0xcb: {  	(tm) =	ssettm $0x7FFFFFFF  }
tec
execute0_lowered:
.L_overlay_start_1:
0x0: {  	(tag) =	ssettag $0x1  }
0x1: {  	v0 =	vimm.f32 $-9.375000000e-01;
	vm0 =	vcmask $0x300  }
0x2: {  	vm14 =	vcmask $0x704;
	v0 =	vsel vm0, $0x80000000, v0  }
0x3: {  	s0 =	rddreg [dreg:$0x0];
	vm15 =	vcmask $0xB08;
	v0 =	vsel vm14, $0xBD800000, v0  }
0x4: {  	s3 =	rddreg [dreg:$0x2];
	vm4 =	vcmask $0xF0C;
	v0 =	vsel vm15, $0xBE000000, v0  }
0x5: {  	s4 =	rddreg [dreg:$0x3];
	s5 =	simm.s32 $0x0;
	vm5 =	vcmask $0x1310;
	v0 =	vsel vm4, $0xBE400000, v0  }
0x6: {  	vm6 =	vcmask $0x1714;
	[smem:$0x7FF] =	sst s5;
	v0 =	vsel vm5, $0xBE800000, v0  }
0x7: {  	s1 =	srdreg.scid;
	s2 =	stileid.u32;
	v1 =	vimm.f32 $3.000000000e+00;
	vm7 =	vcmask $0x1B18;
	_ =	strace $0x80000047;
	v0 =	vsel vm6, $0xBEA00000, v0  }
0x8: {  	vm8 =	vcmask $0x1F1C;
	s18 =	simm.s32 $0xD;
	s19 =	simm.s32 $0x80;
	s1 =	sand.u32 $0x1, s1;
	(erf) = vrcp.f32 v1;
	v0 =	vsel vm7, $0xBEC00000, v0  }
0x9: {  	vm9 =	vcmask $0x2320;
	s20 =	simm.s32 $0x6;
	s2 =	sshll.u32 s2, $0xD;
	s6 =	sshll.u32 s1, $0xC;
	v0 =	vsel vm8, $0xBEE00000, v0  }
0xa: {  	vm10 =	vcmask $0x2724;
	s21 =	simm.s32 $0xA;
	s1 =	ssub.s32 $0x2, s1;
	s7 =	sor.u32 s6, s2;
	v0 =	vsel vm9, $0xBF000000, v0  }
0xb: {  	vm11 =	vcmask $0x2B28;
	s22 =	simm.s32 $0x7;
	s26 =	sshrl.u32 s1, $0x1;
	s2 =	sshrl.u32 s7, $0x3;
	v0 =	vsel vm10, $0xBF100000, v0  }
0xc: {  	vm12 =	vcmask $0x2F2C;
	s23 =	simm.s32 $0xB;
	s1 =	ssub.s32 s1, s26;
	s2 =	sadd.s32 s0, s2;
	v0 =	vsel vm11, $0xBF200000, v0  }
0xd: {  	vm13 =	vcmask $0x3330;
	s24 =	simm.s32 $0x8;
	s1 =	smax.u32 s1, $0x1;
	[dreg:$0x5] =	wrdreg s2;
	v0 =	vsel vm12, $0xBF300000, v0  }
0xe: {  	s25 =	simm.s32 $0xC;
	s30 =	sadd.s32 $0x4000, s2;
	[dreg:$0x9] =	wrdreg s1;
	v0 =	vsel vm13, $0xBF400000, v0  }
0xf: {  	s28 =	simm.s32 $0x9;
	vm14 =	vcmask $0x3734;
	s31 =	sadd.s32 $0x8000, s2;
	[dreg:$0x6] =	wrdreg s30  }
0x10: {  	s29 =	simm.s32 $0x0;
	vm15 =	vcmask $0x3B38;
	s2 =	sadd.s32 $0xC000, s2;
	[dreg:$0x7] =	wrdreg s31;
	v1 =	vsel vm14, $0xBF500000, v0  }
0x11: {  	s12 =	sor.u32 $0x80000, s7;
	s26 =	simm.s32 $0x5;
	[dreg:$0x8] =	wrdreg s2;
	v1 =	vsel vm15, $0xBF600000, v1;
	v0 =	vpop (erf)  }
.LBB2_1:
0x12: {  	s1 =	rddreg [dreg:$0x5];
	s2 =	simm.s32 $0x100  }
0x13: {  	[tilespmem:s2], [sflag:$0x1] =	stream.linear.gather [hbm4b:s1+s5], $0x1000, $0x38;
	[tilespmem:$0xC100] =	vst v63  }
0x14: {  	s10 =	rddreg [dreg:$0x6];
	s11 =	simm.s32 $0x1100  }
0x15: {  	[tilespmem:s11], [sflag:$0x2] =	stream.linear.gather [hbm4b:s10+s5], $0x1000, $0x38;
	[tilespmem:$0xC100] =	vst v63  }
0x16: {  	s13 =	rddreg [dreg:$0x7];
	s14 =	simm.s32 $0x2100  }
0x17: {  	[tilespmem:s14], [sflag:$0x3] =	stream.linear.gather [hbm4b:s13+s5], $0x1000, $0x38;
	[tilespmem:$0xC100] =	vst v63  }
0x18: {  	s15 =	rddreg [dreg:$0x8];
	s16 =	simm.s32 $0x3100  }
0x19: {  	[tilespmem:s16], [sflag:$0x4] =	stream.linear.gather [hbm4b:s15+s5], $0x1000, $0x38;
	[tilespmem:$0xC100] =	vst v63  }
0x1a: {  	s17 =	rddreg [dreg:$0x1]  }
0x1b: {  	[tilespmem:s5], [sflag:$0xD] =	stream.linear.gather [hbm4b:s17+s5], $0x80, $0x38;
	[tilespmem:$0xC100] =	vst v63  }
0x1c: {  	_ =	swait.ge [sflag:s18], $0x80  }
0x1d: {  	[sflag:s18] =	ssyncset.done $0x0  }
0x1e: {  	[sflag:s18] =	ssyncadd.s32 $0xFFFFFF80  }
0x1f: {  	v2 =	vld [tilespmem:$0x0];
	_ =	sdelay $0x4  }
0x20: {  	v3 =	vand.u32 $0x7FFFFFFF, v2  }
0x21: {  	v3 =	vsub.f32 $0.0e+00, v3;
	_ =	sdelay $0x1  }
0x22: {  	v3 =	vmul.f32 $1.442695020e+00, v3;
	_ =	sdelay $0x1  }
0x23: {  	(erf) = vpow2.f32 v3;
	_ =	sdelay $0x8  }
0x24: {  	v3 =	vpop (erf)  }
0x25: {  	v4 =	vmul.f32 v3, v0;
	_ =	sdelay $0x1  }
0x26: {  	v4 =	vsub.f32 $5.000000000e-01, v4;
	_ =	sdelay $0x1  }
0x27: {  	v4 =	vmul.f32 v4, v3;
	_ =	sdelay $0x1  }
0x28: {  	v4 =	vsub.f32 $1.000000000e+00, v4;
	_ =	sdelay $0x1  }
0x29: {  	v4 =	vmul.f32 v4, v3;
	_ =	sdelay $0x1  }
0x2a: {  	v5 =	vsub.f32 $0.0e+00, v4;
	_ =	sdelay $0x1  }
0x2b: {  	v5 =	vmul.f32 $1.442695020e+00, v5;
	_ =	sdelay $0x1  }
0x2c: {  	(erf) = vpow2.f32 v5;
	_ =	sdelay $0x7  }
0x2d: {  	v3 =	vadd.f32 $1.000000000e+00, v3  }
0x2e: {  	v5 =	vpop (erf)  }
0x2f: {  	v4 =	vadd.f32 $-1.000000000e+00, v4;
	v5 =	vmul.f32 v5, v3;
	_ =	sdelay $0x1  }
0x30: {  	v4 =	vadd.f32 v5, v4;
	_ =	sdelay $0x1  }
0x31: {  	v5 =	vsub.f32 $0.0e+00, v4;
	_ =	sdelay $0x1  }
0x32: {  	v5 =	vmul.f32 $1.442695020e+00, v5;
	_ =	sdelay $0x1  }
0x33: {  	(erf) = vpow2.f32 v5;
	_ =	sdelay $0x8  }
0x34: {  	v5 =	vpop (erf)  }
0x35: {  	v4 =	vadd.f32 $-1.000000000e+00, v4;
	v5 =	vmul.f32 v5, v3;
	_ =	sdelay $0x1  }
0x36: {  	v4 =	vadd.f32 v5, v4;
	_ =	sdelay $0x1  }
0x37: {  	v5 =	vsub.f32 $0.0e+00, v4;
	_ =	sdelay $0x1  }
0x38: {  	v5 =	vmul.f32 $1.442695020e+00, v5;
	_ =	sdelay $0x1  }
0x39: {  	(erf) = vpow2.f32 v5;
	_ =	sdelay $0x8  }
0x3a: {  	v5 =	vpop (erf)  }
0x3b: {  	v4 =	vadd.f32 $-1.000000000e+00, v4;
	v5 =	vmul.f32 v5, v3;
	_ =	sdelay $0x1  }
0x3c: {  	v4 =	vadd.f32 v5, v4;
	_ =	sdelay $0x1  }
0x3d: {  	v5 =	vsub.f32 $0.0e+00, v4;
	_ =	sdelay $0x1  }
0x3e: {  	v5 =	vmul.f32 $1.442695020e+00, v5;
	_ =	sdelay $0x1  }
0x3f: {  	(erf) = vpow2.f32 v5;
	_ =	sdelay $0x8  }
0x40: {  	v5 =	vpop (erf)  }
0x41: {  	v4 =	vadd.f32 $-1.000000000e+00, v4;
	v3 =	vmul.f32 v5, v3;
	_ =	sdelay $0x1  }
0x42: {  	v3 =	vadd.f32 v3, v4  }
0x43: {  	v2 =	vmax.f32 v2, $0.0e+00  }
0x44: {  	v2 =	vadd.f32 v3, v2;
	_ =	sdelay $0x1  }
0x45: {  	v2 =	vadd.f32 $9.999999930e-09, v2;
	_ =	sdelay $0x1  }
0x46: {  	(xrf2) =	vadd.scan.msk.f32 $0xffff, v2;
	_ =	sdelay $0x9  }
0x47: {  	v3, _, _ =	vpop (xrf2)  }
0x48: {  	v3 =	vbroadcast v3, $0xF;
	_ =	sdelay $0x1  }
0x49: {  	(erf) = vrcp.f32 v3;
	_ =	sdelay $0x8  }
0x4a: {  	v3 =	vpop (erf)  }
0x4b: {  	v2 =	vmul.f32 v3, v2;
	_ =	sdelay $0x1  }
0x4c: {  	(xrf2) =	vadd.scan.msk.f32 $0xffff, v2;
	_ =	sdelay $0x8  }
0x4d: {  	v3 =	vmul.f32 $1.600000000e+01, v2  }
0x4e: {  	v62, _, _ =	vpop (xrf2)  }
0x4f: {  	v63 =	vmul.f32 v1, v3;
	v2 =	vsub.f32 v62, v2;
	_ =	sdelay $0x1  }
0x50: {  	v3 =	vmax.f32 v3, $9.999999930e-09;
	v2 =	vadd.f32 v63, v2  }
0x51: {  	[tilespmem:$0x0] =	vst v3  }
0x52: {  	s30 =	simm.s32 $0x0;
	s31 =	simm.s32 $0x0;
	[tilespmem:$0x80] =	vst v2  }
.LBB2_2:
0x53: {  	s6 =	sand.u32 $0x3, s31  }
0x54: {  	s2 =	sadd.s32 $0x1, s6  }
0x55: {  	_ =	swait.ge [sflag:s2], $0x1000  }
0x56: {  	p0 =	slt.u32 s31, $0x4;
	[sflag:s2] =	ssyncset.done $0x0  }
0x57: {  	s1 =	sadd.s32 @!p0 $0x5, s6;
	[sflag:s2] =	ssyncadd.s32 $0xFFFFF000  }
0x58: {  	_ =	swait.ge @!p0 [sflag:s1], $0x1000  }
0x59: {  	[sflag:s1] =	ssyncset.done @!p0 $0x0  }
0x5a: {  	s8 =	simm.s32 $0x0;
	s9 =	sadd.s32 @!p0 $0x9, s6;
	[sflag:s1] =	ssyncadd.s32 @!p0 $0xFFFFF000  }
0x5b: {  	s10 =	sand.u32 $0xC00, s8;
	s1 =	sshll.u32 s6, $0xC;
	_ =	swait.ge @!p0 [sflag:s9], $0x1000  }
0x5c: {  	s11 =	sand.u32 $0x40, s8;
	s10 =	sor.u32 s1, s10;
	[sflag:s9] =	ssyncset.done @!p0 $0x0  }
0x5d: {  	s14 =	sor.u32 s11, s10;
	[sflag:s9] =	ssyncadd.s32 @!p0 $0xFFFFF000  }
0x5e: {  	v3 =	vld [tilespmem:s14+$0x120];
	_ =	sdelay $0x3  }
0x5f: {  	v4 =	vld [tilespmem:s14+$0x100]  }
0x60: {  	v2 =	vmul.f32 $1.600000000e+01, v3;
	_ =	sdelay $0x1  }
0x61: {  	v2 =	vtrunc.f32 v2  }
0x62: {  	v2 =	vcvt.f32.s32 v2  }
0x63: {  	v5 =	vld [tilespmem:s14+$0x110];
	v6 =	vmul.f32 $1.600000000e+01, v4;
	_ =	sdelay $0x1  }
0x64: {  	v6 =	vtrunc.f32 v6  }
0x65: {  	v7 =	vld [tilespmem:s14+$0x1A0];
	v6 =	vcvt.f32.s32 v6  }
0x66: {  	v10 =	vld [tilespmem:s14+$0x130]  }
0x67: {  	v8 =	vmul.f32 $1.600000000e+01, v5;
	v9 =	vld.idx.msk [tilespmem:v2+s5+$0x0], $0xffff  }
0x68: {  	v12 =	vld [tilespmem:s14+$0x180]  }
0x69: {  	v8 =	vtrunc.f32 v8;
	v11 =	vld.idx.msk [tilespmem:v2+s19+$0x0], $0xffff  }
0x6a: {  	v13 =	vmul.f32 $1.600000000e+01, v7;
	v8 =	vcvt.f32.s32 v8  }
0x6b: {  	v17 =	vmul.f32 $1.600000000e+01, v10;
	v15 =	vld.idx.msk [tilespmem:v6+s5+$0x0], $0xffff  }
0x6c: {  	v14 =	vld [tilespmem:s14+$0x220];
	v13 =	vtrunc.f32 v13;
	v3 =	vmul.f32 v9, v3  }
0x6d: {  	v17 =	vtrunc.f32 v17;
	v13 =	vcvt.f32.s32 v13;
	v6 =	vld.idx.msk [tilespmem:v6+s19+$0x0], $0xffff  }
0x6e: {  	v16 =	vld [tilespmem:s14+$0x190];
	[tilespmem:s14+$0x8120] =	vst v9;
	v9 =	vcvt.f32.s32 v17;
	v3 =	vadd.f32 v3, v11;
	v11 =	vmul.f32 $1.600000000e+01, v12  }
0x6f: {  	v21 =	vld [tilespmem:s14+$0x200]  }
0x70: {  	v18 =	vld.idx.msk [tilespmem:v8+s5+$0x0], $0xffff;
	v4 =	vmul.f32 v15, v4;
	v3 =	vmax.f32 v3, $9.999999970e-07;
	v11 =	vtrunc.f32 v11  }
0x71: {  	v19 =	vld [tilespmem:s14+$0x1B0];
	v17 =	vmin.f32 v3, $9.999989860e-01;
	v11 =	vcvt.f32.s32 v11  }
0x72: {  	v8 =	vld.idx.msk [tilespmem:v8+s19+$0x0], $0xffff;
	v4 =	vadd.f32 v4, v6;
	[tilespmem:s14+$0x4120] =	vst v17  }
0x73: {  	v17 =	vld.idx.msk [tilespmem:v13+s5+$0x0], $0xffff  }
0x74: {  	v20 =	vmul.f32 $1.600000000e+01, v16;
	v4 =	vmax.f32 v4, $9.999999970e-07;
	v22 =	vld.idx.msk [tilespmem:v9+s5+$0x0], $0xffff  }
0x75: {  	v23 =	vmul.f32 $1.600000000e+01, v21;
	v5 =	vmul.f32 v18, v5;
	[tilespmem:s14+$0x8100] =	vst v15;
	v4 =	vmin.f32 v4, $9.999989860e-01;
	v13 =	vld.idx.msk [tilespmem:v13+s19+$0x0], $0xffff  }
0x76: {  	v15 =	vtrunc.f32 v20;
	v6 =	vmul.f32 $1.600000000e+01, v14;
	[tilespmem:s14+$0x4100] =	vst v4;
	v9 =	vld.idx.msk [tilespmem:v9+s19+$0x0], $0xffff  }
0x77: {  	v15 =	vcvt.f32.s32 v15;
	v5 =	vadd.f32 v5, v8;
	v8 =	vmul.f32 $1.600000000e+01, v19;
	v20 =	vld.idx.msk [tilespmem:v11+s5+$0x0], $0xffff  }
0x78: {  	v6 =	vtrunc.f32 v6;
	v7 =	vmul.f32 v17, v7  }
0x79: {  	v5 =	vmax.f32 v5, $9.999999970e-07;
	v8 =	vtrunc.f32 v8;
	v6 =	vcvt.f32.s32 v6;
	v11 =	vld.idx.msk [tilespmem:v11+s19+$0x0], $0xffff  }
0x7a: {  	v2 =	vld [tilespmem:s14+$0x210];
	[tilespmem:s14+$0x8110] =	vst v18;
	v5 =	vmin.f32 v5, $9.999989860e-01;
	v10 =	vmul.f32 v22, v10;
	v7 =	vadd.f32 v7, v13  }
0x7b: {  	v18 =	vld [tilespmem:s14+$0x2A0];
	v8 =	vcvt.f32.s32 v8;
	[tilespmem:s14+$0x4110] =	vst v5;
	v5 =	vtrunc.f32 v23  }
0x7c: {  	v9 =	vadd.f32 v10, v9;
	v13 =	vld [tilespmem:s14+$0x230];
	v7 =	vmax.f32 v7, $9.999999970e-07;
	v10 =	vmul.f32 v20, v12  }
0x7d: {  	v5 =	vcvt.f32.s32 v5;
	[tilespmem:s14+$0x81A0] =	vst v17;
	v12 =	vld.idx.msk [tilespmem:v15+s5+$0x0], $0xffff;
	v7 =	vmin.f32 v7, $9.999989860e-01  }
0x7e: {  	v9 =	vmax.f32 v9, $9.999999970e-07;
	v15 =	vld.idx.msk [tilespmem:v15+s19+$0x0], $0xffff;
	[tilespmem:s14+$0x41A0] =	vst v7;
	v10 =	vadd.f32 v10, v11  }
0x7f: {  	[tilespmem:s14+$0x8130] =	vst v22;
	v9 =	vmin.f32 v9, $9.999989860e-01;
	v11 =	vmul.f32 $1.600000000e+01, v2;
	v7 =	vld.idx.msk [tilespmem:v6+s5+$0x0], $0xffff  }
0x80: {  	[tilespmem:s14+$0x4130] =	vst v9;
	v6 =	vld.idx.msk [tilespmem:v6+s19+$0x0], $0xffff;
	v9 =	vmax.f32 v10, $9.999999970e-07  }
0x81: {  	[tilespmem:s14+$0x8180] =	vst v20;
	v10 =	vtrunc.f32 v11;
	v11 =	vld.idx.msk [tilespmem:v8+s5+$0x0], $0xffff;
	v9 =	vmin.f32 v9, $9.999989860e-01  }
0x82: {  	v8 =	vld.idx.msk [tilespmem:v8+s19+$0x0], $0xffff;
	v16 =	vmul.f32 v12, v16;
	[tilespmem:s14+$0x4180] =	vst v9;
	v9 =	vmul.f32 $1.600000000e+01, v18  }
0x83: {  	v10 =	vcvt.f32.s32 v10;
	v20 =	vld.idx.msk [tilespmem:v5+s5+$0x0], $0xffff  }
0x84: {  	v15 =	vadd.f32 v16, v15;
	v14 =	vmul.f32 v7, v14;
	v9 =	vtrunc.f32 v9  }
0x85: {  	v16 =	vmul.f32 $1.600000000e+01, v13;
	v5 =	vld.idx.msk [tilespmem:v5+s19+$0x0], $0xffff;
	v9 =	vcvt.f32.s32 v9  }
0x86: {  	v17 =	vld [tilespmem:s14+$0x290];
	[tilespmem:s14+$0x8190] =	vst v12;
	v12 =	vmul.f32 v11, v19;
	v6 =	vadd.f32 v14, v6;
	v14 =	vmax.f32 v15, $9.999999970e-07  }
0x87: {  	[tilespmem:s14+$0x8220] =	vst v7;
	v15 =	vtrunc.f32 v16;
	v14 =	vmin.f32 v14, $9.999989860e-01  }
0x88: {  	v7 =	vld [tilespmem:s14+$0x320];
	v8 =	vadd.f32 v12, v8;
	[tilespmem:s14+$0x4190] =	vst v14;
	v14 =	vcvt.f32.s32 v15;
	v12 =	vmul.f32 v20, v21  }
0x89: {  	v6 =	vmax.f32 v6, $9.999999970e-07;
	v15 =	vld.idx.msk [tilespmem:v10+s5+$0x0], $0xffff  }
0x8a: {  	s17 =	sand.u32 $0x3, s30;
	v4 =	vld [tilespmem:s14+$0x2B0];
	[tilespmem:s14+$0x81B0] =	vst v11;
	v6 =	vmin.f32 v6, $9.999989860e-01;
	v5 =	vadd.f32 v12, v5  }
0x8b: {  	s17 =	sshll.u32 s17, $0xC;
	s8 =	sand.u32 $0xFFFFFC00, s8;
	v10 =	vld.idx.msk [tilespmem:v10+s19+$0x0], $0xffff;
	[tilespmem:s14+$0x4220] =	vst v6;
	v6 =	vmax.f32 v8, $9.999999970e-07;
	v8 =	vmul.f32 $1.600000000e+01, v17  }
0x8c: {  	s8 =	sadd.s32 s8, s17;
	[tilespmem:s14+$0x8200] =	vst v20;
	v6 =	vmin.f32 v6, $9.999989860e-01;
	v11 =	vld.idx.msk [tilespmem:v9+s5+$0x0], $0xffff;
	v5 =	vmax.f32 v5, $9.999999970e-07  }
0x8d: {  	s15 =	sadd.s32 $0x0, s8;
	[tilespmem:s14+$0x41B0] =	vst v6;
	v6 =	vtrunc.f32 v8;
	v8 =	vld.idx.msk [tilespmem:v9+s19+$0x0], $0xffff;
	v5 =	vmin.f32 v5, $9.999989860e-01  }
0x8e: {  	s8 =	sor.u32 $0x180, s15;
	v9 =	vmul.f32 $1.600000000e+01, v7;
	v12 =	vld.idx.msk [tilespmem:v14+s5+$0x0], $0xffff;
	v2 =	vmul.f32 v15, v2;
	[tilespmem:s14+$0x4200] =	vst v5  }
0x8f: {  	v5 =	vcvt.f32.s32 v6;
	v16 =	vld [tilespmem:s8+$0x100]  }
0x90: {  	v6 =	vtrunc.f32 v9;
	v2 =	vadd.f32 v2, v10  }
0x91: {  	v9 =	vld.idx.msk [tilespmem:v14+s19+$0x0], $0xffff;
	v10 =	vmul.f32 $1.600000000e+01, v4;
	v14 =	vmul.f32 v11, v18  }
0x92: {  	v6 =	vcvt.f32.s32 v6;
	v2 =	vmax.f32 v2, $9.999999970e-07  }
0x93: {  	[tilespmem:s14+$0x8210] =	vst v15;
	v15 =	vld [tilespmem:s14+$0x310];
	v8 =	vadd.f32 v14, v8;
	v10 =	vtrunc.f32 v10;
	v2 =	vmin.f32 v2, $9.999989860e-01  }
0x94: {  	v3 =	vld [tilespmem:s14+$0x330];
	[tilespmem:s14+$0x4210] =	vst v2;
	v2 =	vmul.f32 v12, v13;
	v13 =	vmul.f32 $1.600000000e+01, v16  }
0x95: {  	[tilespmem:s14+$0x82A0] =	vst v11;
	v10 =	vcvt.f32.s32 v10;
	v8 =	vmax.f32 v8, $9.999999970e-07;
	v11 =	vld.idx.msk [tilespmem:v5+s5+$0x0], $0xffff  }
0x96: {  	v18 =	vld [tilespmem:s14+$0x3A0];
	v8 =	vmin.f32 v8, $9.999989860e-01;
	v2 =	vadd.f32 v2, v9;
	v9 =	vtrunc.f32 v13  }
0x97: {  	v5 =	vld.idx.msk [tilespmem:v5+s19+$0x0], $0xffff;
	[tilespmem:s14+$0x42A0] =	vst v8;
	v8 =	vcvt.f32.s32 v9  }
0x98: {  	v13 =	vmul.f32 $1.600000000e+01, v15;
	v14 =	vld.idx.msk [tilespmem:v6+s5+$0x0], $0xffff;
	v2 =	vmax.f32 v2, $9.999999970e-07  }
0x99: {  	[tilespmem:s14+$0x8230] =	vst v12;
	v9 =	vld [tilespmem:s14+$0x390];
	v2 =	vmin.f32 v2, $9.999989860e-01  }
0x9a: {  	v6 =	vld.idx.msk [tilespmem:v6+s19+$0x0], $0xffff;
	v12 =	vtrunc.f32 v13;
	[tilespmem:s14+$0x4230] =	vst v2;
	v2 =	vmul.f32 v11, v17  }
0x9b: {  	v12 =	vcvt.f32.s32 v12;
	v17 =	vld.idx.msk [tilespmem:v10+s5+$0x0], $0xffff  }
0x9c: {  	v13 =	vmul.f32 $1.600000000e+01, v18;
	v2 =	vadd.f32 v2, v5;
	v5 =	vld.idx.msk [tilespmem:v10+s19+$0x0], $0xffff  }
0x9d: {  	v7 =	vmul.f32 v14, v7;
	v19 =	vld.idx.msk [tilespmem:v8+s5+$0x0], $0xffff  }
0x9e: {  	[tilespmem:s14+$0x8290] =	vst v11;
	v11 =	vmul.f32 $1.600000000e+01, v3;
	v10 =	vtrunc.f32 v13;
	v8 =	vld.idx.msk [tilespmem:v8+s19+$0x0], $0xffff;
	v2 =	vmax.f32 v2, $9.999999970e-07  }
0x9f: {  	v10 =	vcvt.f32.s32 v10;
	v7 =	vadd.f32 v7, v6;
	v6 =	vld [tilespmem:s14+$0x4A0];
	v2 =	vmin.f32 v2, $9.999989860e-01  }
0xa0: {  	[tilespmem:s14+$0x4290] =	vst v2;
	v2 =	vld [tilespmem:s14+$0x4B0]  }
0xa1: {  	[tilespmem:s14+$0x8320] =	vst v14;
	v11 =	vtrunc.f32 v11;
	v4 =	vmul.f32 v17, v4;
	v20 =	vld.idx.msk [tilespmem:v12+s5+$0x0], $0xffff  }
0xa2: {  	v7 =	vmax.f32 v7, $9.999999970e-07;
	[tilespmem:s14+$0x82B0] =	vst v17;
	v17 =	vcvt.f32.s32 v11;
	v14 =	vld.idx.msk [tilespmem:v12+s19+$0x0], $0xffff  }
0xa3: {  	v7 =	vmin.f32 v7, $9.999989860e-01;
	v12 =	vld [tilespmem:s14+$0x420];
	v5 =	vadd.f32 v4, v5;
	v11 =	vmul.f32 v19, v16  }
0xa4: {  	[tilespmem:s14+$0x4320] =	vst v7;
	v4 =	vld [tilespmem:s14+$0x430]  }
0xa5: {  	v7 =	vmul.f32 $1.600000000e+01, v9;
	v21 =	vld.idx.msk [tilespmem:v10+s5+$0x0], $0xffff;
	v5 =	vmax.f32 v5, $9.999999970e-07;
	v8 =	vadd.f32 v11, v8  }
0xa6: {  	v13 =	vld.idx.msk [tilespmem:v10+s19+$0x0], $0xffff;
	v5 =	vmin.f32 v5, $9.999989860e-01  }
0xa7: {  	[tilespmem:s14+$0x42B0] =	vst v5;
	v5 =	vtrunc.f32 v7;
	v8 =	vmax.f32 v8, $9.999999970e-07;
	v10 =	vmul.f32 v20, v15;
	v7 =	vld [tilespmem:s14+$0x3B0]  }
0xa8: {  	[tilespmem:s8+$0x8100] =	vst v19;
	v22 =	vmul.f32 $1.600000000e+01, v2;
	v15 =	vmul.f32 $1.600000000e+01, v6;
	v8 =	vmin.f32 v8, $9.999989860e-01;
	v16 =	vld.idx.msk [tilespmem:v17+s5+$0x0], $0xffff  }
0xa9: {  	v11 =	vcvt.f32.s32 v5;
	v19 =	vmul.f32 $1.600000000e+01, v4;
	v17 =	vld.idx.msk [tilespmem:v17+s19+$0x0], $0xffff;
	[tilespmem:s8+$0x4100] =	vst v8;
	v10 =	vadd.f32 v10, v14  }
0xaa: {  	[tilespmem:s14+$0x8310] =	vst v20;
	v5 =	vtrunc.f32 v22;
	v14 =	vtrunc.f32 v15;
	v22 =	vld [tilespmem:s14+$0x300]  }
0xab: {  	s16 =	sor.u32 $0x100, s1;
	s10 =	simm.s32 $0x200;
	s9 =	simm.s32 $0x40;
	v18 =	vmul.f32 v21, v18;
	[tilespmem:s14+$0x83A0] =	vst v21;
	v8 =	vtrunc.f32 v19;
	v15 =	vld [tilespmem:s14+$0x380];
	v10 =	vmax.f32 v10, $9.999999970e-07  }
.LBB2_3:
0xac: {  	s8 =	sand.u32 $0xC00, s10  }
0xad: {  	p0 =	slt.u32 s9, $0x1C0;
	v19 =	vmin.f32 v10, $9.999989860e-01;
	v10 =	vld [tilespmem:s14+$0x490];
	v13 =	vadd.f32 v18, v13;
	v18 =	vmul.f32 $1.600000000e+01, v7;
	s13 =	smov.u32 s9;
	s9 =	sadd.s32 $0x40, s9  }
0xae: {  	s11 =	sand.u32 $0x40, s13;
	s8 =	sor.u32 s1, s8;
	[tilespmem:s14+$0x4310] =	vst v19;
	v23 =	vld [tilespmem:s14+$0x410];
	v19 =	vmul.f32 $1.600000000e+01, v12  }
0xaf: {  	v3 =	vmul.f32 v16, v3;
	s11 =	sor.u32 s11, s8;
	v24 =	vld.idx.msk [tilespmem:v11+s5+$0x0], $0xffff;
	v13 =	vmax.f32 v13, $9.999999970e-07;
	[tilespmem:s14+$0x8330] =	vst v16;
	v18 =	vtrunc.f32 v18  }
0xb0: {  	v20 =	vmul.f32 $1.600000000e+01, v22;
	v25 =	vld.idx.msk [tilespmem:v11+s19+$0x0], $0xffff;
	v11 =	vmin.f32 v13, $9.999989860e-01;
	v13 =	vtrunc.f32 v19  }
0xb1: {  	v3 =	vadd.f32 v3, v17;
	v16 =	vld [tilespmem:s11+$0x180];
	v19 =	vmul.f32 $1.600000000e+01, v15;
	[tilespmem:s14+$0x43A0] =	vst v11;
	v26 =	vcvt.f32.s32 v13  }
0xb2: {  	v21 =	vcvt.f32.s32 v18;
	v27 =	vld [tilespmem:s11+$0x120];
	v17 =	vtrunc.f32 v20  }
0xb3: {  	v3 =	vmax.f32 v3, $9.999999970e-07;
	v28 =	vld [tilespmem:s11+$0x110];
	v29 =	vtrunc.f32 v19;
	v18 =	vmul.f32 $1.600000000e+01, v23  }
0xb4: {  	v19 =	vmul.f32 $1.600000000e+01, v10;
	v3 =	vmin.f32 v3, $9.999989860e-01;
	v11 =	vld [tilespmem:s11+$0x210]  }
0xb5: {  	v9 =	vmul.f32 v24, v9;
	v13 =	vld [tilespmem:s11+$0x220];
	v18 =	vtrunc.f32 v18;
	[tilespmem:s14+$0x4330] =	vst v3  }
0xb6: {  	v3 =	vcvt.f32.s32 v17;
	v20 =	vld [tilespmem:s11+$0x130];
	[tilespmem:s14+$0x8390] =	vst v24;
	v24 =	vcvt.f32.s32 v18  }
0xb7: {  	v9 =	vadd.f32 v9, v25;
	v18 =	vtrunc.f32 v19;
	v17 =	vld.idx.msk [tilespmem:v26+s5+$0x0], $0xffff  }
0xb8: {  	v19 =	vmul.f32 $1.600000000e+01, v28;
	v25 =	vld.idx.msk [tilespmem:v26+s19+$0x0], $0xffff  }
0xb9: {  	v26 =	vmul.f32 $1.600000000e+01, v27;
	v30 =	vmax.f32 v9, $9.999999970e-07;
	v9 =	vld.idx.msk [tilespmem:v21+s19+$0x0], $0xffff  }
0xba: {  	v31 =	vmul.f32 $1.600000000e+01, v11;
	v30 =	vmin.f32 v30, $9.999989860e-01;
	v32 =	vld [tilespmem:s11+$0x1A0];
	v33 =	vmul.f32 $1.600000000e+01, v13  }
0xbb: {  	v19 =	vtrunc.f32 v19;
	v26 =	vtrunc.f32 v26;
	v34 =	vld [tilespmem:s11+$0x100];
	[tilespmem:s14+$0x4390] =	vst v30  }
0xbc: {  	v30 =	vcvt.f32.s32 v19;
	v26 =	vcvt.f32.s32 v26;
	v35 =	vld.idx.msk [tilespmem:v24+s19+$0x0], $0xffff  }
0xbd: {  	v33 =	vtrunc.f32 v33;
	v12 =	vmul.f32 v17, v12;
	v36 =	vld.idx.msk [tilespmem:v3+s5+$0x0], $0xffff;
	[tilespmem:s14+$0x8420] =	vst v17  }
0xbe: {  	v3 =	vld.idx.msk [tilespmem:v3+s19+$0x0], $0xffff  }
0xbf: {  	v14 =	vcvt.f32.s32 v14;
	v12 =	vadd.f32 v12, v25;
	v17 =	vld [tilespmem:s11+$0x190];
	v37 =	vmul.f32 $1.600000000e+01, v32  }
0xc0: {  	v25 =	vmul.f32 $1.600000000e+01, v34;
	v19 =	vld [tilespmem:s14+$0x400]  }
0xc1: {  	v12 =	vmax.f32 v12, $9.999999970e-07;
	v37 =	vtrunc.f32 v37;
	v24 =	vld.idx.msk [tilespmem:v24+s5+$0x0], $0xffff  }
0xc2: {  	v38 =	vmul.f32 $1.600000000e+01, v16;
	v25 =	vtrunc.f32 v25;
	v39 =	vld.idx.msk [tilespmem:v26+s5+$0x0], $0xffff  }
0xc3: {  	v12 =	vmin.f32 v12, $9.999989860e-01;
	v22 =	vmul.f32 v36, v22;
	v25 =	vcvt.f32.s32 v25;
	v40 =	vld.idx.msk [tilespmem:v30+s5+$0x0], $0xffff;
	[tilespmem:s14+$0x8300] =	vst v36  }
0xc4: {  	v29 =	vcvt.f32.s32 v29;
	v36 =	vtrunc.f32 v38;
	v26 =	vld.idx.msk [tilespmem:v26+s19+$0x0], $0xffff;
	[tilespmem:s14+$0x4420] =	vst v12  }
0xc5: {  	v36 =	vcvt.f32.s32 v36;
	v12 =	vmul.f32 $1.600000000e+01, v17;
	v3 =	vadd.f32 v22, v3;
	v22 =	vld.idx.msk [tilespmem:v14+s5+$0x0], $0xffff  }
0xc6: {  	v38 =	vmul.f32 $1.600000000e+01, v20;
	v41 =	vmul.f32 $1.600000000e+01, v19;
	v30 =	vld.idx.msk [tilespmem:v30+s19+$0x0], $0xffff  }
0xc7: {  	v12 =	vtrunc.f32 v12;
	v42 =	vmax.f32 v3, $9.999999970e-07;
	v23 =	vmul.f32 v24, v23;
	[tilespmem:s14+$0x8410] =	vst v24;
	v14 =	vld.idx.msk [tilespmem:v14+s19+$0x0], $0xffff  }
0xc8: {  	v24 =	vcvt.f32.s32 v12;
	v12 =	vmul.f32 v39, v27;
	v27 =	vmin.f32 v42, $9.999989860e-01;
	v3 =	vld [tilespmem:s11+$0x330]  }
0xc9: {  	v37 =	vcvt.f32.s32 v37;
	v23 =	vadd.f32 v23, v35;
	v42 =	vld.idx.msk [tilespmem:v25+s5+$0x0], $0xffff;
	[tilespmem:s14+$0x4300] =	vst v27;
	v27 =	vtrunc.f32 v41  }
0xca: {  	v28 =	vmul.f32 v40, v28;
	v12 =	vadd.f32 v12, v26;
	v25 =	vld.idx.msk [tilespmem:v25+s19+$0x0], $0xffff  }
0xcb: {  	v26 =	vtrunc.f32 v38;
	v38 =	vmax.f32 v23, $9.999999970e-07;
	v6 =	vmul.f32 v22, v6;
	[tilespmem:s11+$0x8120] =	vst v39;
	v35 =	vld.idx.msk [tilespmem:v29+s19+$0x0], $0xffff  }
0xcc: {  	v26 =	vcvt.f32.s32 v26;
	v28 =	vadd.f32 v28, v30;
	v12 =	vmax.f32 v12, $9.999999970e-07;
	v29 =	vld.idx.msk [tilespmem:v29+s5+$0x0], $0xffff;
	[tilespmem:s14+$0x84A0] =	vst v22  }
0xcd: {  	v12 =	vmin.f32 v12, $9.999989860e-01;
	v22 =	vmin.f32 v38, $9.999989860e-01;
	v6 =	vadd.f32 v6, v14;
	v23 =	vld [tilespmem:s11+$0x1B0]  }
0xce: {  	v14 =	vmax.f32 v28, $9.999999970e-07;
	[tilespmem:s11+$0x4120] =	vst v12;
	v12 =	vld [tilespmem:s11+$0x2B0]  }
0xcf: {  	v28 =	vmul.f32 v42, v34;
	v30 =	vmin.f32 v14, $9.999989860e-01;
	v6 =	vmax.f32 v6, $9.999999970e-07;
	v34 =	vld.idx.msk [tilespmem:v37+s5+$0x0], $0xffff;
	[tilespmem:s14+$0x4410] =	vst v22  }
0xd0: {  	v6 =	vmin.f32 v6, $9.999989860e-01;
	v22 =	vld [tilespmem:s11+$0x200]  }
0xd1: {  	v14 =	vadd.f32 v28, v25;
	v25 =	vld.idx.msk [tilespmem:v37+s19+$0x0], $0xffff;
	[tilespmem:s14+$0x44A0] =	vst v6  }
0xd2: {  	v15 =	vmul.f32 v29, v15;
	v28 =	vld.idx.msk [tilespmem:v26+s5+$0x0], $0xffff;
	v6 =	vmul.f32 $1.600000000e+01, v23;
	[tilespmem:s14+$0x8380] =	vst v29  }
0xd3: {  	v31 =	vtrunc.f32 v31;
	v29 =	vmax.f32 v14, $9.999999970e-07;
	v14 =	vld [tilespmem:s11+$0x230]  }
0xd4: {  	v27 =	vcvt.f32.s32 v27;
	v29 =	vmin.f32 v29, $9.999989860e-01;
	[tilespmem:s11+$0x8100] =	vst v42;
	v37 =	vtrunc.f32 v6;
	v21 =	vld.idx.msk [tilespmem:v21+s5+$0x0], $0xffff  }
0xd5: {  	v6 =	vmul.f32 v34, v32;
	[tilespmem:s11+$0x4100] =	vst v29;
	v29 =	vcvt.f32.s32 v31;
	v26 =	vld.idx.msk [tilespmem:v26+s19+$0x0], $0xffff;
	v31 =	vadd.f32 v15, v35  }
0xd6: {  	v33 =	vcvt.f32.s32 v33;
	v35 =	vmul.f32 $1.600000000e+01, v22;
	v32 =	vld.idx.msk [tilespmem:v36+s5+$0x0], $0xffff;
	[tilespmem:s11+$0x81A0] =	vst v34  }
0xd7: {  	v25 =	vadd.f32 v6, v25;
	v15 =	vld [tilespmem:s11+$0x2A0];
	v6 =	vmax.f32 v31, $9.999999970e-07  }
0xd8: {  	v20 =	vmul.f32 v28, v20;
	v31 =	vld.idx.msk [tilespmem:v36+s19+$0x0], $0xffff;
	[tilespmem:s11+$0x8110] =	vst v40;
	v34 =	vmul.f32 $1.600000000e+01, v14;
	v36 =	vmin.f32 v6, $9.999989860e-01  }
0xd9: {  	v37 =	vcvt.f32.s32 v37;
	v25 =	vmax.f32 v25, $9.999999970e-07;
	v6 =	vld [tilespmem:s11+$0x290];
	[tilespmem:s14+$0x4380] =	vst v36  }
0xda: {  	v25 =	vmin.f32 v25, $9.999989860e-01;
	v7 =	vmul.f32 v21, v7;
	[tilespmem:s11+$0x4110] =	vst v30;
	v30 =	vtrunc.f32 v34;
	v34 =	vld.idx.msk [tilespmem:v27+s5+$0x0], $0xffff  }
0xdb: {  	v18 =	vcvt.f32.s32 v18;
	v35 =	vtrunc.f32 v35;
	v20 =	vadd.f32 v20, v26;
	v36 =	vld.idx.msk [tilespmem:v24+s5+$0x0], $0xffff;
	[tilespmem:s11+$0x41A0] =	vst v25  }
0xdc: {  	v16 =	vmul.f32 v32, v16;
	v25 =	vld.idx.msk [tilespmem:v33+s5+$0x0], $0xffff;
	v26 =	vmul.f32 $1.600000000e+01, v15;
	[tilespmem:s14+$0x83B0] =	vst v21  }
0xdd: {  	v7 =	vadd.f32 v7, v9;
	v21 =	vcvt.f32.s32 v35;
	v20 =	vmax.f32 v20, $9.999999970e-07;
	v24 =	vld.idx.msk [tilespmem:v24+s19+$0x0], $0xffff  }
0xde: {  	v9 =	vadd.f32 v16, v31;
	v20 =	vmin.f32 v20, $9.999989860e-01;
	v16 =	vmul.f32 $1.600000000e+01, v6;
	v31 =	vld.idx.msk [tilespmem:v33+s19+$0x0], $0xffff;
	[tilespmem:s11+$0x8130] =	vst v28  }
0xdf: {  	v8 =	vcvt.f32.s32 v8;
	v7 =	vmax.f32 v7, $9.999999970e-07;
	v26 =	vtrunc.f32 v26;
	[tilespmem:s11+$0x4130] =	vst v20;
	v20 =	vld.idx.msk [tilespmem:v27+s19+$0x0], $0xffff  }
0xe0: {  	v7 =	vmin.f32 v7, $9.999989860e-01;
	v9 =	vmax.f32 v9, $9.999999970e-07;
	v19 =	vmul.f32 v34, v19;
	[tilespmem:s11+$0x8180] =	vst v32;
	v27 =	vld.idx.msk [tilespmem:v37+s5+$0x0], $0xffff  }
0xe1: {  	v9 =	vmin.f32 v9, $9.999989860e-01;
	v17 =	vmul.f32 v36, v17;
	v16 =	vtrunc.f32 v16;
	[tilespmem:s14+$0x8400] =	vst v34;
	v28 =	vld.idx.msk [tilespmem:v18+s5+$0x0], $0xffff  }
0xe2: {  	v16 =	vcvt.f32.s32 v16;
	[tilespmem:s11+$0x4180] =	vst v9;
	v9 =	vmul.f32 v25, v13;
	v13 =	vld.idx.msk [tilespmem:v37+s19+$0x0], $0xffff  }
0xe3: {  	v17 =	vadd.f32 v17, v24;
	v24 =	vcvt.f32.s32 v26;
	v32 =	vld.idx.msk [tilespmem:v21+s5+$0x0], $0xffff;
	[tilespmem:s14+$0x43B0] =	vst v7  }
0xe4: {  	v7 =	vld.idx.msk [tilespmem:v21+s19+$0x0], $0xffff;
	v9 =	vadd.f32 v9, v31  }
0xe5: {  	v17 =	vmax.f32 v17, $9.999999970e-07;
	v19 =	vadd.f32 v19, v20;
	[tilespmem:s11+$0x8190] =	vst v36;
	v20 =	vld.idx.msk [tilespmem:v8+s5+$0x0], $0xffff  }
0xe6: {  	v17 =	vmin.f32 v17, $9.999989860e-01;
	v21 =	vmul.f32 v27, v23;
	v9 =	vmax.f32 v9, $9.999999970e-07;
	[tilespmem:s11+$0x8220] =	vst v25;
	v8 =	vld.idx.msk [tilespmem:v8+s19+$0x0], $0xffff  }
0xe7: {  	v23 =	vcvt.f32.s32 v30;
	v19 =	vmax.f32 v19, $9.999999970e-07;
	[tilespmem:s11+$0x4190] =	vst v17;
	v9 =	vmin.f32 v9, $9.999989860e-01;
	v17 =	vld [tilespmem:s11+$0x320]  }
0xe8: {  	v10 =	vmul.f32 v28, v10;
	v25 =	vld.idx.msk [tilespmem:v29+s5+$0x0], $0xffff;
	[tilespmem:s11+$0x4220] =	vst v9;
	v9 =	vadd.f32 v21, v13;
	v13 =	vmin.f32 v19, $9.999989860e-01  }
0xe9: {  	v19 =	vmul.f32 v32, v22;
	v21 =	vld.idx.msk [tilespmem:v29+s19+$0x0], $0xffff;
	[tilespmem:s14+$0x4400] =	vst v13  }
0xea: {  	v13 =	vld.idx.msk [tilespmem:v24+s5+$0x0], $0xffff;
	v9 =	vmax.f32 v9, $9.999999970e-07;
	[tilespmem:s11+$0x81B0] =	vst v27  }
0xeb: {  	s8 =	sor.u32 $0x380, s15;
	v7 =	vadd.f32 v19, v7;
	v4 =	vmul.f32 v20, v4;
	v19 =	vld.idx.msk [tilespmem:v24+s19+$0x0], $0xffff;
	v9 =	vmin.f32 v9, $9.999989860e-01;
	[tilespmem:s14+$0x8430] =	vst v20  }
0xec: {  	v5 =	vcvt.f32.s32 v5;
	s15 =	sand.u32 $0xFFFFFC00, s10;
	v20 =	vmul.f32 $1.600000000e+01, v17;
	[tilespmem:s11+$0x41B0] =	vst v9;
	v22 =	vld [tilespmem:s8+$0x100]  }
0xed: {  	s15 =	sadd.s32 s15, s17;
	v7 =	vmax.f32 v7, $9.999999970e-07;
	v4 =	vadd.f32 v4, v8;
	[tilespmem:s11+$0x8200] =	vst v32;
	v24 =	vld.idx.msk [tilespmem:v23+s5+$0x0], $0xffff  }
0xee: {  	s15 =	sadd.s32 s15, s13;
	v7 =	vmin.f32 v7, $9.999989860e-01;
	v8 =	vmul.f32 v25, v11;
	[tilespmem:s11+$0x8210] =	vst v25;
	v9 =	vtrunc.f32 v20;
	v11 =	vld.idx.msk [tilespmem:v23+s19+$0x0], $0xffff  }
0xef: {  	s13 =	sor.u32 $0x180, s15;
	v4 =	vmax.f32 v4, $9.999999970e-07;
	[tilespmem:s11+$0x4200] =	vst v7;
	v7 =	vmul.f32 $1.600000000e+01, v12;
	v18 =	vld.idx.msk [tilespmem:v18+s19+$0x0], $0xffff  }
0xf0: {  	v8 =	vadd.f32 v8, v21;
	v15 =	vmul.f32 v13, v15;
	v4 =	vmin.f32 v4, $9.999989860e-01;
	v20 =	vld [tilespmem:s13+$0x100];
	[tilespmem:s14+$0x8490] =	vst v28  }
0xf1: {  	v23 =	vcvt.f32.s32 v9;
	v21 =	vld [tilespmem:s11+$0x310];
	v9 =	vmul.f32 $1.600000000e+01, v22;
	[tilespmem:s14+$0x4430] =	vst v4  }
0xf2: {  	v4 =	vmax.f32 v8, $9.999999970e-07;
	v8 =	vadd.f32 v15, v19;
	v7 =	vtrunc.f32 v7;
	[tilespmem:s11+$0x82A0] =	vst v13;
	v13 =	vld.idx.msk [tilespmem:v5+s5+$0x0], $0xffff  }
0xf3: {  	v4 =	vmin.f32 v4, $9.999989860e-01;
	v15 =	vld [tilespmem:s11+$0x3A0];
	[tilespmem:s11+$0x8230] =	vst v24;
	v19 =	vtrunc.f32 v9  }
0xf4: {  	[tilespmem:s11+$0x4210] =	vst v4;
	v9 =	vld [tilespmem:s11+$0x390];
	v4 =	vmax.f32 v8, $9.999999970e-07;
	v8 =	vmul.f32 v24, v14;
	v14 =	vcvt.f32.s32 v19  }
0xf5: {  	v10 =	vadd.f32 v10, v18;
	v19 =	vmul.f32 $1.600000000e+01, v20;
	v24 =	vld.idx.msk [tilespmem:v16+s5+$0x0], $0xffff;
	v4 =	vmin.f32 v4, $9.999989860e-01  }
0xf6: {  	v7 =	vcvt.f32.s32 v7;
	v16 =	vld.idx.msk [tilespmem:v16+s19+$0x0], $0xffff;
	v18 =	vmul.f32 $1.600000000e+01, v21;
	[tilespmem:s11+$0x42A0] =	vst v4;
	v4 =	vadd.f32 v8, v11  }
0xf7: {  	v10 =	vmax.f32 v10, $9.999999970e-07;
	v8 =	vtrunc.f32 v19;
	v19 =	vld.idx.msk [tilespmem:v23+s19+$0x0], $0xffff  }
0xf8: {  	v8 =	vcvt.f32.s32 v8;
	v23 =	vld.idx.msk [tilespmem:v23+s5+$0x0], $0xffff;
	v11 =	vmul.f32 $1.600000000e+01, v15;
	v4 =	vmax.f32 v4, $9.999999970e-07  }
0xf9: {  	v10 =	vmin.f32 v10, $9.999989860e-01;
	v25 =	vmul.f32 $1.600000000e+01, v9;
	v4 =	vmin.f32 v4, $9.999989860e-01;
	v5 =	vld.idx.msk [tilespmem:v5+s19+$0x0], $0xffff  }
0xfa: {  	v18 =	vtrunc.f32 v18;
	v26 =	vtrunc.f32 v11;
	[tilespmem:s11+$0x4230] =	vst v4;
	v4 =	vld.idx.msk [tilespmem:v14+s5+$0x0], $0xffff  }
0xfb: {  	v6 =	vmul.f32 v24, v6;
	v11 =	vtrunc.f32 v25;
	v14 =	vld.idx.msk [tilespmem:v14+s19+$0x0], $0xffff;
	[tilespmem:s14+$0x84B0] =	vst v13  }
0xfc: {  	v18 =	vcvt.f32.s32 v18;
	[tilespmem:s11+$0x8290] =	vst v24;
	v24 =	vld.idx.msk [tilespmem:v7+s5+$0x0], $0xffff  }
0xfd: {  	v2 =	vmul.f32 v13, v2;
	v6 =	vadd.f32 v6, v16;
	v11 =	vcvt.f32.s32 v11;
	v7 =	vld.idx.msk [tilespmem:v7+s19+$0x0], $0xffff;
	[tilespmem:s14+$0x4490] =	vst v10  }
0xfe: {  	v16 =	vcvt.f32.s32 v26;
	v13 =	vmul.f32 v23, v17;
	v10 =	vld.idx.msk [tilespmem:v8+s5+$0x0], $0xffff;
	[tilespmem:s11+$0x8320] =	vst v23  }
0xff: {  	v17 =	vmul.f32 $1.600000000e+01, v3;
	v6 =	vmax.f32 v6, $9.999999970e-07;
	v5 =	vadd.f32 v2, v5;
	v8 =	vld.idx.msk [tilespmem:v8+s19+$0x0], $0xffff  }
0x100: {  	v2 =	vmin.f32 v6, $9.999989860e-01;
	v13 =	vadd.f32 v13, v19;
	v19 =	vmul.f32 v4, v22;
	v6 =	vld [tilespmem:s11+$0x4A0];
	[tilespmem:s8+$0x8100] =	vst v4  }
0x101: {  	v4 =	vtrunc.f32 v17;
	v5 =	vmax.f32 v5, $9.999999970e-07;
	[tilespmem:s11+$0x4290] =	vst v2;
	v2 =	vld [tilespmem:s11+$0x4B0]  }
0x102: {  	v13 =	vmax.f32 v13, $9.999999970e-07;
	v12 =	vmul.f32 v24, v12;
	v14 =	vadd.f32 v19, v14;
	v17 =	vld.idx.msk [tilespmem:v18+s5+$0x0], $0xffff;
	[tilespmem:s11+$0x82B0] =	vst v24  }
0x103: {  	v19 =	vcvt.f32.s32 v4;
	v5 =	vmin.f32 v5, $9.999989860e-01;
	v13 =	vmin.f32 v13, $9.999989860e-01;
	v18 =	vld.idx.msk [tilespmem:v18+s19+$0x0], $0xffff  }
0x104: {  	v20 =	vmul.f32 v10, v20;
	v7 =	vadd.f32 v12, v7;
	v12 =	vmax.f32 v14, $9.999999970e-07;
	[tilespmem:s11+$0x4320] =	vst v13;
	v4 =	vld [tilespmem:s11+$0x430]  }
0x105: {  	v12 =	vmin.f32 v12, $9.999989860e-01;
	v23 =	vld.idx.msk [tilespmem:v16+s5+$0x0], $0xffff;
	v14 =	vmul.f32 $1.600000000e+01, v6;
	[tilespmem:s14+$0x44B0] =	vst v5;
	s14 =	smov.u32 s11  }
0x106: {  	v5 =	vadd.f32 v20, v8;
	v7 =	vmax.f32 v7, $9.999999970e-07;
	v13 =	vld.idx.msk [tilespmem:v16+s19+$0x0], $0xffff;
	v8 =	vmul.f32 $1.600000000e+01, v2;
	[tilespmem:s8+$0x4100] =	vst v12  }
0x107: {  	v7 =	vmin.f32 v7, $9.999989860e-01;
	[tilespmem:s13+$0x8100] =	vst v10;
	v12 =	vld [tilespmem:s14+$0x420];
	v14 =	vtrunc.f32 v14  }
.Ltmp0:
0x108: {  	v10 =	vmax.f32 v5, $9.999999970e-07;
	v20 =	vmul.f32 v17, v21;
	[tilespmem:s14+$0x42B0] =	vst v7;
	v7 =	vld [tilespmem:s14+$0x3B0];
	v5 =	vtrunc.f32 v8;
	(pc) =	sbr.rel @p0 .LBB2_3-.Ltmp0, $4  }
0x109: {  	v8 =	vmin.f32 v10, $9.999989860e-01;
	[tilespmem:s14+$0x8310] =	vst v17;
	v16 =	vld.idx.msk [tilespmem:v19+s5+$0x0], $0xffff;
	v10 =	vmul.f32 $1.600000000e+01, v4  }
0x10a: {  	v20 =	vadd.f32 v20, v18;
	[tilespmem:s13+$0x4100] =	vst v8;
	v17 =	vld.idx.msk [tilespmem:v19+s19+$0x0], $0xffff  }
0x10b: {  	v18 =	vmul.f32 v23, v15;
	v22 =	vld [tilespmem:s14+$0x300];
	[tilespmem:s14+$0x83A0] =	vst v23;
	v8 =	vtrunc.f32 v10  }
0x10c: {  	s10 =	sadd.s32 $0x200, s10;
	v10 =	vmax.f32 v20, $9.999999970e-07;
	v15 =	vld [tilespmem:s14+$0x380]  }
0x10d: {  	_ =	sdelay $0x2  }
0x10e: {  	v19 =	vmul.f32 $1.600000000e+01, v22;
	_ =	sdelay $0x1  }
0x10f: {  	v19 =	vtrunc.f32 v19  }
0x110: {  	v19 =	vcvt.f32.s32 v19;
	_ =	sdelay $0x5  }
0x111: {  	v20 =	vld.idx.msk [tilespmem:v19+s5+$0x0], $0xffff;
	_ =	sdelay $0x1  }
0x112: {  	v19 =	vld.idx.msk [tilespmem:v19+s19+$0x0], $0xffff  }
0x113: {  	v21 =	vmul.f32 $1.600000000e+01, v15;
	_ =	sdelay $0x1  }
0x114: {  	v21 =	vtrunc.f32 v21;
	v28 =	vmul.f32 v20, v22  }
0x115: {  	v21 =	vcvt.f32.s32 v21  }
0x116: {  	v19 =	vadd.f32 v28, v19;
	_ =	sdelay $0x1  }
0x117: {  	v19 =	vmax.f32 v19, $9.999999970e-07  }
0x118: {  	v29 =	vld [tilespmem:s14+$0x400];
	[tilespmem:s14+$0x8300] =	vst v20;
	v19 =	vmin.f32 v19, $9.999989860e-01  }
0x119: {  	v23 =	vmul.f32 $1.600000000e+01, v7;
	[tilespmem:s14+$0x4300] =	vst v19  }
0x11a: {  	v19 =	vld.idx.msk [tilespmem:v21+s5+$0x0], $0xffff  }
0x11b: {  	v3 =	vmul.f32 v16, v3;
	v23 =	vtrunc.f32 v23  }
0x11c: {  	v32 =	vcvt.f32.s32 v23;
	v20 =	vld.idx.msk [tilespmem:v21+s19+$0x0], $0xffff  }
0x11d: {  	v3 =	vadd.f32 v3, v17;
	v30 =	vmul.f32 $1.600000000e+01, v29  }
0x11e: {  	v10 =	vmin.f32 v10, $9.999989860e-01;
	v33 =	vld [tilespmem:s14+$0x410]  }
0x11f: {  	[tilespmem:s14+$0x4310] =	vst v10;
	v3 =	vmax.f32 v3, $9.999999970e-07;
	v21 =	vtrunc.f32 v30;
	v31 =	vmul.f32 v19, v15  }
0x120: {  	[tilespmem:s14+$0x8330] =	vst v16;
	v34 =	vld.idx.msk [tilespmem:v11+s5+$0x0], $0xffff;
	v3 =	vmin.f32 v3, $9.999989860e-01;
	v21 =	vcvt.f32.s32 v21  }
0x121: {  	v36 =	vld.idx.msk [tilespmem:v11+s19+$0x0], $0xffff;
	[tilespmem:s14+$0x4330] =	vst v3;
	v15 =	vadd.f32 v31, v20  }
0x122: {  	v39 =	vld.idx.msk [tilespmem:v32+s5+$0x0], $0xffff  }
0x123: {  	v38 =	vmul.f32 $1.600000000e+01, v33;
	v15 =	vmax.f32 v15, $9.999999970e-07  }
0x124: {  	v10 =	vld.idx.msk [tilespmem:v32+s19+$0x0], $0xffff;
	[tilespmem:s14+$0x8380] =	vst v19;
	v15 =	vmin.f32 v15, $9.999989860e-01  }
0x125: {  	v9 =	vmul.f32 v34, v9;
	v16 =	vtrunc.f32 v38;
	[tilespmem:s14+$0x4380] =	vst v15  }
0x126: {  	v35 =	vmul.f32 $1.600000000e+01, v12;
	v16 =	vcvt.f32.s32 v16;
	v3 =	vld.idx.msk [tilespmem:v21+s5+$0x0], $0xffff  }
0x127: {  	v9 =	vadd.f32 v9, v36;
	v43 =	vmul.f32 v39, v7  }
0x128: {  	v8 =	vcvt.f32.s32 v8;
	v37 =	vtrunc.f32 v35;
	v40 =	vld.idx.msk [tilespmem:v21+s19+$0x0], $0xffff  }
0x129: {  	v9 =	vmax.f32 v9, $9.999999970e-07;
	v7 =	vadd.f32 v43, v10;
	v15 =	vcvt.f32.s32 v37  }
0x12a: {  	v13 =	vadd.f32 v18, v13;
	[tilespmem:s14+$0x8390] =	vst v34;
	v9 =	vmin.f32 v9, $9.999989860e-01  }
0x12b: {  	v24 =	vld [tilespmem:s14+$0x490];
	[tilespmem:s14+$0x4390] =	vst v9;
	v7 =	vmax.f32 v7, $9.999999970e-07;
	v42 =	vmul.f32 v3, v29  }
0x12c: {  	v13 =	vmax.f32 v13, $9.999999970e-07;
	[tilespmem:s14+$0x83B0] =	vst v39;
	v49 =	vld.idx.msk [tilespmem:v16+s5+$0x0], $0xffff;
	v7 =	vmin.f32 v7, $9.999989860e-01  }
0x12d: {  	v41 =	vmin.f32 v13, $9.999989860e-01;
	v48 =	vld.idx.msk [tilespmem:v16+s19+$0x0], $0xffff;
	[tilespmem:s14+$0x43B0] =	vst v7;
	v44 =	vadd.f32 v42, v40  }
0x12e: {  	[tilespmem:s14+$0x43A0] =	vst v41;
	v51 =	vld.idx.msk [tilespmem:v8+s5+$0x0], $0xffff  }
0x12f: {  	v45 =	vld.idx.msk [tilespmem:v15+s5+$0x0], $0xffff;
	v47 =	vmax.f32 v44, $9.999999970e-07  }
0x130: {  	v8 =	vld.idx.msk [tilespmem:v8+s19+$0x0], $0xffff;
	[tilespmem:s14+$0x8400] =	vst v3;
	v3 =	vmin.f32 v47, $9.999989860e-01  }
0x131: {  	s8 =	sor.u32 $0x380, s15;
	v52 =	vmul.f32 $1.600000000e+01, v24;
	v54 =	vmul.f32 v49, v33;
	v46 =	vld.idx.msk [tilespmem:v15+s19+$0x0], $0xffff;
	[tilespmem:s14+$0x4400] =	vst v3  }
0x132: {  	v3 =	vld [tilespmem:s8+$0x100]  }
0x133: {  	v53 =	vtrunc.f32 v52;
	v11 =	vadd.f32 v54, v48;
	v4 =	vmul.f32 v51, v4  }
0x134: {  	v9 =	vcvt.f32.s32 v53;
	v50 =	vmul.f32 v45, v12  }
0x135: {  	v5 =	vcvt.f32.s32 v5;
	v11 =	vmax.f32 v11, $9.999999970e-07;
	v4 =	vadd.f32 v4, v8  }
0x136: {  	[tilespmem:s14+$0x8410] =	vst v49;
	v57 =	vmin.f32 v11, $9.999989860e-01;
	v7 =	vadd.f32 v50, v46  }
0x137: {  	v14 =	vcvt.f32.s32 v14;
	[tilespmem:s14+$0x4410] =	vst v57;
	v4 =	vmax.f32 v4, $9.999999970e-07;
	v55 =	vmul.f32 $1.600000000e+01, v3  }
0x138: {  	[tilespmem:s14+$0x8430] =	vst v51;
	v4 =	vmin.f32 v4, $9.999989860e-01;
	v7 =	vmax.f32 v7, $9.999999970e-07  }
0x139: {  	[tilespmem:s14+$0x4430] =	vst v4;
	v7 =	vmin.f32 v7, $9.999989860e-01;
	v56 =	vtrunc.f32 v55  }
0x13a: {  	v8 =	vld.idx.msk [tilespmem:v9+s5+$0x0], $0xffff;
	[tilespmem:s14+$0x4420] =	vst v7;
	v7 =	vcvt.f32.s32 v56  }
0x13b: {  	v60 =	vld.idx.msk [tilespmem:v5+s5+$0x0], $0xffff  }
0x13c: {  	v5 =	vld.idx.msk [tilespmem:v5+s19+$0x0], $0xffff;
	[tilespmem:s14+$0x8420] =	vst v45  }
0x13d: {  	v13 =	vld.idx.msk [tilespmem:v14+s5+$0x0], $0xffff  }
0x13e: {  	v9 =	vld.idx.msk [tilespmem:v9+s19+$0x0], $0xffff  }
0x13f: {  	v58 =	vld.idx.msk [tilespmem:v14+s19+$0x0], $0xffff  }
0x140: {  	v2 =	vmul.f32 v60, v2;
	v61 =	vld.idx.msk [tilespmem:v7+s5+$0x0], $0xffff;
	_ =	sdelay $0x1  }
0x141: {  	v2 =	vadd.f32 v2, v5;
	v59 =	vmul.f32 v13, v6;
	v7 =	vld.idx.msk [tilespmem:v7+s19+$0x0], $0xffff  }
0x142: {  	v62 =	vmul.f32 v8, v24  }
0x143: {  	[tilespmem:s14+$0x8490] =	vst v8;
	v2 =	vmax.f32 v2, $9.999999970e-07;
	v4 =	vadd.f32 v59, v58  }
0x144: {  	v9 =	vadd.f32 v62, v9;
	[tilespmem:s14+$0x84B0] =	vst v60;
	v2 =	vmin.f32 v2, $9.999989860e-01;
	v3 =	vmul.f32 v61, v3  }
0x145: {  	[tilespmem:s14+$0x44B0] =	vst v2;
	v4 =	vmax.f32 v4, $9.999999970e-07  }
0x146: {  	v63 =	vmax.f32 v9, $9.999999970e-07;
	[tilespmem:s14+$0x84A0] =	vst v13;
	v4 =	vmin.f32 v4, $9.999989860e-01;
	v3 =	vadd.f32 v3, v7  }
0x147: {  	s9 =	sshll.u32 s31, $0x11;
	[tilespmem:s14+$0x44A0] =	vst v4;
	v4 =	vmin.f32 v63, $9.999989860e-01  }
0x148: {  	s17 =	sadd.s32 $0x4100, s1;
	s10 =	sor.u32 s7, s9;
	[tilespmem:s14+$0x4490] =	vst v4;
	v3 =	vmax.f32 v3, $9.999999970e-07  }
0x149: {  	s11 =	sadd.s32 $0x5, s6;
	p0 =	sgt.u32 s31, $0x14;
	s10 =	sshrl.u32 s10, $0x3;
	[tilespmem:s8+$0x8100] =	vst v61;
	v3 =	vmin.f32 v3, $9.999989860e-01  }
0x14a: {  	s13 =	sadd.s32 s3, s10;
	s14 =	sadd.s32 $0x8100, s1;
	s1 =	sadd.s32 @!p0 s12, s9;
	[tilespmem:s8+$0x4100] =	vst v3  }
0x14b: {  	[hbm4b:s13+s5] =	stream.linear.scatter [tilespmem:s17], [sflag:s11], $0x1000, $0x38;
	[tilespmem:$0xC100] =	vst v63  }
0x14c: {  	s15 =	sadd.s32 $0x9, s6;
	s1 =	sshrl.u32 @!p0 s1, $0x3;
	s17 =	sadd.s32 s4, s10  }
0x14d: {  	[hbm4b:s17+s5] =	stream.linear.scatter [tilespmem:s14], [sflag:s15], $0x1000, $0x38;
	[tilespmem:$0xC100] =	vst v63  }
0x14e: {  	s31 =	sadd.s32 $0x1, s31;
	s6 =	simm.s32 @!p0 $0x0;
	s1 =	sadd.s32 @!p0 s0, s1  }
0x14f: {  	[tilespmem:s16], [sflag:s2] =	stream.linear.gather @!p0 [hbm4b:s1+s6], $0x1000, $0x38;
	[tilespmem:$0xC100] =	vst v63  }
0x150: {  	p0 =	sne.s32 s31, $0x19  }
.Ltmp1:
0x151: {  	_ = 	snop;
	(pc) =	sbr.rel @p0 .LBB2_2-.Ltmp1, $2  }
0x152: {  	_ =	sdelay $0x2  }
0x153: {  	s30 =	sadd.s32 $0x1, s30  }
0x154: {  	_ =	swait.ge [sflag:s20], $0x1000  }
0x155: {  	[sflag:s20] =	ssyncset.done $0x0  }
0x156: {  	[sflag:s20] =	ssyncadd.s32 $0xFFFFF000  }
0x157: {  	_ =	swait.ge [sflag:s21], $0x1000  }
0x158: {  	[sflag:s21] =	ssyncset.done $0x0  }
0x159: {  	[sflag:s21] =	ssyncadd.s32 $0xFFFFF000  }
0x15a: {  	_ =	swait.ge [sflag:s22], $0x1000  }
0x15b: {  	[sflag:s22] =	ssyncset.done $0x0  }
0x15c: {  	[sflag:s22] =	ssyncadd.s32 $0xFFFFF000  }
0x15d: {  	_ =	swait.ge [sflag:s23], $0x1000  }
0x15e: {  	[sflag:s23] =	ssyncset.done $0x0  }
0x15f: {  	[sflag:s23] =	ssyncadd.s32 $0xFFFFF000  }
0x160: {  	_ =	swait.ge [sflag:s24], $0x1000  }
0x161: {  	[sflag:s24] =	ssyncset.done $0x0  }
0x162: {  	[sflag:s24] =	ssyncadd.s32 $0xFFFFF000  }
0x163: {  	_ =	swait.ge [sflag:s25], $0x1000  }
0x164: {  	[sflag:s25] =	ssyncset.done $0x0  }
0x165: {  	[sflag:s25] =	ssyncadd.s32 $0xFFFFF000  }
0x166: {  	_ =	swait.ge [sflag:s26], $0x1000  }
0x167: {  	[sflag:s26] =	ssyncset.done $0x0  }
0x168: {  	[sflag:s26] =	ssyncadd.s32 $0xFFFFF000  }
0x169: {  	_ =	swait.ge [sflag:s28], $0x1000  }
0x16a: {  	s29 =	sadd.s32 $0x1, s29;
	s1 =	rddreg [dreg:$0x9]  }
0x16b: {  	p0 =	sne.s32 s29, s1  }
.Ltmp2:
0x16c: {  	_ = 	snop;
	(pc) =	sbr.rel @p0 .LBB2_1-.Ltmp2, $3  }
0x16d: {  	_ =	sdelay $0x1  }
0x16e: {  	[sflag:s28] =	ssyncset.done $0x0  }
0x16f: {  	[sflag:s28] =	ssyncadd.s32 $0xFFFFF000  }
0x170: {  	_ =	sfence.sel $0x180000  }
0x171: {  	[bflag:$0x0] =	sbarrier.arrive $0xFFFF  }
0x172: {  	_ =	strace $0x90000047  }
0x173: {  	s0 =	stileid.u32;
	[bflag:$0x2] =	sbarrier.arrive $0xFFFF  }
0x174: {  	p0 =	sne.s32 s0, $0x0;
	s0 =	rddreg [dreg:$0x4]  }
0x175: {  	s0 =	sadd.s32 @!p0 $0x100000, s0  }
0x176: {  	[sflag:s0] =	ssyncadd.tile.s32 @!p0 $0x1;
	_ =	shalt  }
.Lfunc_end2:
_tile_overlayer_lowered:
.L_overlay_start_2:
0x177: {  	(tag) =	ssettag $0x2  }
0x178: {  	s0 =	rddreg [dreg:$0x0];
	s2 =	stileid.u32  }
0x179: {  	s1 =	rddreg [dreg:$0x1];
	p0 =	sne.s32 s2, $0x0  }
0x17a: {  	s3 =	rddreg [dreg:$0x2];
	[bflag:$0x3] =	sbarrier.arrive $0xFFFF;
	s2 =	simm.s32 @!p0 $0x1C0D  }
0x17b: {  	[timem:s3], [sflag:s2] =	dma.local @!p0 [hbm:s0], s1  }
0x17c: {  	s0 =	simm.s32 @!p0 $0xD  }
0x17d: {  	_ =	swait.ge @!p0 [sflag:s0], s1  }
0x17e: {  	s1 =	ssub.s32 @!p0 $0x0, s1;
	[sflag:s0] =	ssyncset.done @!p0 $0x0  }
0x17f: {  	[sflag:s0] =	ssyncadd.s32 @!p0 s1  }
0x180: {  	[bflag:$0x3] =	sbarrier.arrive $0xFFFF  }
0x181: {  	_ =	shalt  }

</sc_bundles>
